<compile_context>
chip_gen: v7x
topology: tpu7x:2x2x1
jax: 0.10.2.dev20260603
libtpu: 0.0.44.dev20260713+nightly
codegen_flags: <defaults>
</compile_context>

<pallas_src>
import functools

import jax
import jax.numpy as jnp
from jax import lax
from jax.experimental import pallas as pl
from jax.experimental.pallas import tpu as pltpu
from jax.experimental.pallas import tpu_sc as plsc

_ETA_MAX = 0.5


def _make_sc1(B, twoD, NC, NS):
    NW = NC * NS
    BPW = B // NW
    CH = 128
    mesh = plsc.VectorSubcoreMesh(core_axis_name="c", subcore_axis_name="s")

    @functools.partial(
        pl.kernel,
        mesh=mesh,
        out_type=[
            jax.ShapeDtypeStruct((B, 128), jnp.int32),
            jax.ShapeDtypeStruct((B, twoD), jnp.float32),
        ],
        scratch_types=[
            pltpu.VMEM((BPW,), jnp.int32),
            pltpu.VMEM((BPW, 128), jnp.int32),
            pltpu.VMEM((BPW, twoD), jnp.float32),
            pltpu.SemaphoreType.DMA,
        ],
    )
    def sc1(anchor_h, combo_h, emb_h,
            aall_o, ei_o,
            aid_v, all_v, ei_v, sem):
        wid = lax.axis_index("s") * NC + lax.axis_index("c")
        base = wid * BPW
        pltpu.sync_copy(anchor_h.at[pl.ds(base, BPW)], aid_v)
        cps = []
        for j in range(BPW // CH):
            idx = aid_v.at[pl.ds(j * CH, CH)]
            sl = pl.ds(j * CH, CH)
            cps.append(pltpu.async_copy(combo_h.at[idx], all_v.at[sl], sem))
            cps.append(pltpu.async_copy(emb_h.at[idx], ei_v.at[sl], sem))
        for c in cps:
            c.wait()
        out = pl.ds(base, BPW)
        pltpu.sync_copy(all_v, aall_o.at[out])
        pltpu.sync_copy(ei_v, ei_o.at[out])

    return sc1


def _make_sc2(BK, twoD, D, NC, NS):
    NW = NC * NS
    RPW = BK // NW
    CH = 128
    NIT = RPW // CH
    mesh = plsc.VectorSubcoreMesh(core_axis_name="c", subcore_axis_name="s")

    @functools.partial(
        pl.kernel,
        mesh=mesh,
        out_type=[
            jax.ShapeDtypeStruct((BK, twoD), jnp.float32),
            jax.ShapeDtypeStruct((BK, 3 * D), jnp.float32),
        ],
        scratch_types=[
            pltpu.VMEM((CH,), jnp.int32),
            pltpu.VMEM((CH,), jnp.int32),
            pltpu.VMEM((CH, twoD), jnp.float32),
            pltpu.VMEM((CH, 3 * D), jnp.float32),
            pltpu.SemaphoreType.DMA,
        ],
    )
    def sc2(aent_h, arel_h, emb_h, ph_h,
            ej_o, ph_o,
            ie_v, ir_v, ej_v, ph_v, sem):
        wid = lax.axis_index("s") * NC + lax.axis_index("c")
        base = wid * RPW

        def body(i, carry):
            r0 = base + i * CH
            sl = pl.ds(r0, CH)
            pltpu.sync_copy(aent_h.at[sl], ie_v)
            pltpu.sync_copy(arel_h.at[sl], ir_v)
            c1 = pltpu.async_copy(emb_h.at[ie_v], ej_v, sem)
            c2 = pltpu.async_copy(ph_h.at[ir_v], ph_v, sem)
            c1.wait()
            c2.wait()
            pltpu.sync_copy(ej_v, ej_o.at[sl])
            pltpu.sync_copy(ph_v, ph_o.at[sl])
            return carry

        lax.fori_loop(0, NIT, body, 0)

    return sc2


def _tab_body(ph_ref, b_ref, out_ref, *, D):
    ph = ph_ref[...]
    out_ref[:, :D] = jnp.cos(ph)
    out_ref[:, D:2 * D] = jnp.sin(ph)
    out_ref[:, 2 * D:] = b_ref[...]


def _tc_body(ej_ref, ph_ref, ei_ref, aall_ref, wq_ref, wk_ref,
             par_ref, out_ref, *, BB, K, D, A, scale):
    twoD = 2 * D
    ej = ej_ref[...]
    cosp = ph_ref[:, :D]
    sinp = ph_ref[:, D:2 * D]
    dm = aall_ref[:, K:2 * K] >> 10
    dir_i = dm & 1
    msk = (dm >> 1) != 0
    re_j = ej[:, :D]
    im_j = ej[:, D:]
    re_m = re_j * cosp - im_j * sinp
    im_m = re_j * sinp + im_j * cosp
    hat = jnp.concatenate([re_m, im_m], axis=1)

    ei = ei_ref[...]
    q = lax.dot_general(ei, wq_ref[...], (((1,), (1,)), ((), ())),
                        preferred_element_type=jnp.float32)
    kk = lax.dot_general(hat, wk_ref[...], (((1,), (1,)), ((), ())),
                         preferred_element_type=jnp.float32)
    k3 = kk.reshape(BB, K, A)
    logits = jnp.sum(q[:, None, :] * k3, axis=-1) * (1.0 / scale)

    rb = jnp.sum(ph_ref[:, 2 * D:].reshape(BB, K, D), axis=-1) * (1.0 / D)
    d0 = par_ref[1, 0]
    d1 = par_ref[1, 1]
    s0 = par_ref[1, 2]
    w = par_ref[1, 3]
    dirf = dir_i.astype(jnp.float32)
    logits = logits + rb + d0 + dirf * (d1 - d0)
    logits = jnp.where(msk, logits, -10000.0)
    m = jnp.max(logits, axis=1, keepdims=True)
    ex = jnp.exp(logits - m)
    attn = ex / jnp.sum(ex, axis=1, keepdims=True)

    hat3 = hat.reshape(BB, K, twoD)
    delta = jnp.sum(attn[:, :, None] * hat3, axis=1)
    av = par_ref[0:1, :D]
    a2 = jnp.concatenate([av, av], axis=1)
    deltam = delta * a2

    fbits = aall_ref[:, 3 * K:3 * K + 1]
    f = lax.bitcast_convert_type(fbits, jnp.float32)
    logf = jnp.log1p(f)
    has = jnp.any(msk, axis=1, keepdims=True)
    eta = _ETA_MAX * jax.nn.sigmoid(s0 - w * logf)
    eta = eta * has.astype(jnp.float32)
    out_ref[...] = ei + eta * (deltam - ei)


def kernel(anchor_ids, entity_embedding, relation_phase, nbr_ent, nbr_rel,
           nbr_dir, nbr_mask, freq, a_vec, eta_raw, w_raw, b, Wq, Wk,
           rel_bias, dir_bias):
    N, twoD = entity_embedding.shape
    D = twoD // 2
    B = anchor_ids.shape[0]
    K = nbr_ent.shape[1]
    A = Wq.shape[0]
    BK = B * K
    scale = max(A ** 0.5, 1e-06)

    info = plsc.get_sparse_core_info()
    NC, NS = info.num_cores, info.num_subcores

    aid = anchor_ids.astype(jnp.int32)
    nrel = nbr_rel.astype(jnp.int32)
    ndir = nbr_dir.astype(jnp.int32)
    dm = ndir + 2 * nbr_mask.astype(jnp.int32)
    R = relation_phase.shape[0]
    rel_eff = nrel + R * ndir
    rel_dm = rel_eff | (dm << 10)
    fbits = lax.bitcast_convert_type(freq.astype(jnp.float32),
                                     jnp.int32)[:, None]
    fcols = jnp.broadcast_to(fbits, (N, K))
    combo = jnp.concatenate(
        [nbr_ent.astype(jnp.int32), rel_dm, fcols, fcols],
        axis=1)
    RP = 8 * ((2 * R + 7) // 8)
    ph_signed = jnp.concatenate([relation_phase, -relation_phase], axis=0)
    ph_signed = jnp.pad(ph_signed, ((0, RP - 2 * R), (0, 0)))
    bias128 = jnp.broadcast_to(rel_bias.astype(jnp.float32), (R, D))
    bias2 = jnp.pad(jnp.concatenate([bias128, bias128], axis=0),
                    ((0, RP - 2 * R), (0, 0)))
    ph_tab = pl.pallas_call(
        functools.partial(_tab_body, D=D),
        out_shape=jax.ShapeDtypeStruct((RP, 3 * D), jnp.float32),
    )(ph_signed, bias2)

    sc1 = _make_sc1(B, twoD, NC, NS)
    a_all, e_i = sc1(aid, combo, entity_embedding)

    w_sp = jax.nn.softplus(w_raw)
    s0 = eta_raw + b
    row1 = jnp.zeros((D,), jnp.float32)
    row1 = row1.at[0].set(dir_bias[0, 0]).at[1].set(dir_bias[1, 0])
    row1 = row1.at[2].set(s0).at[3].set(w_sp)
    par = jnp.concatenate(
        [a_vec[None, :].astype(jnp.float32), row1[None, :],
         jnp.zeros((6, D), jnp.float32)], axis=0)

    BB = 128
    H = 2
    B2 = B // H
    BK2 = B2 * K
    sc2 = _make_sc2(BK2, twoD, D, NC, NS)
    body = functools.partial(_tc_body, BB=BB, K=K, D=D, A=A, scale=scale)
    tc = pl.pallas_call(
        body,
        grid=(B2 // BB,),
        in_specs=[
            pl.BlockSpec((BB * K, twoD), lambda i: (i, 0)),
            pl.BlockSpec((BB * K, 3 * D), lambda i: (i, 0)),
            pl.BlockSpec((BB, twoD), lambda i: (i, 0)),
            pl.BlockSpec((BB, 4 * K), lambda i: (i, 0)),
            pl.BlockSpec((A, twoD), lambda i: (0, 0)),
            pl.BlockSpec((A, twoD), lambda i: (0, 0)),
            pl.BlockSpec((8, D), lambda i: (0, 0)),
        ],
        out_specs=pl.BlockSpec((BB, twoD), lambda i: (i, 0)),
        out_shape=jax.ShapeDtypeStruct((B2, twoD), jnp.float32),
    )

    gathered = []
    for h in range(H):
        a_h = lax.slice(a_all, (h * B2, 0), ((h + 1) * B2, a_all.shape[1]))
        aent_f = a_h[:, :K].reshape(BK2)
        arel_f = (a_h[:, K:2 * K] & 1023).reshape(BK2)
        e_j, ph = sc2(aent_f, arel_f, entity_embedding, ph_tab)
        gathered.append((a_h, e_j, ph))
    outs = []
    for h in range(H):
        a_h, e_j, ph = gathered[h]
        e_i_h = lax.slice(e_i, (h * B2, 0), ((h + 1) * B2, twoD))
        outs.append(tc(e_j, ph, e_i_h, a_h, Wq, Wk, par))
    return jnp.concatenate(outs, axis=0)

# --- scband reference (transcript-rebuilt; emitter-appended) ---
"""Pipeline reference for scband-struct-refiner-66065186947187 (READ-ONLY COPY).

The authoritative reference and input builder live on the scoring server;
editing this copy changes nothing except your own understanding.
"""

import jax, jax.numpy as jnp
import numpy as np

EMB_DIM = 128
K = 32
NUM_REL = 500
ATTN_DIM = 128
ETA_MAX = 0.5
N_ENT = 50000
B = 8192


def setup_inputs(seed: int = 0) -> dict:
    key = jax.random.key(seed)
    ks = jax.random.split(key, 12)
    anchor_ids = jax.random.randint(ks[0], (B,), 0, N_ENT)
    entity_embedding = jax.random.normal(ks[1], (N_ENT, 2 * EMB_DIM), dtype=jnp.float32)
    relation_phase = jax.random.normal(ks[2], (NUM_REL, EMB_DIM), dtype=jnp.float32)
    nbr_ent = jax.random.randint(ks[3], (N_ENT, K), 0, N_ENT)
    nbr_rel = jax.random.randint(ks[4], (N_ENT, K), 0, NUM_REL)
    nbr_dir = jax.random.randint(ks[5], (N_ENT, K), 0, 2).astype(bool)
    nbr_mask = jax.random.randint(ks[6], (N_ENT, K), 0, 2).astype(bool)
    freq = jax.random.uniform(ks[7], (N_ENT,), dtype=jnp.float32) * 100.0
    # learned parameters of StructRefiner (random instead of zeros so compute is exercised)
    a_vec = jnp.ones((EMB_DIM,), dtype=jnp.float32)
    eta_raw = jnp.asarray(-6.0, dtype=jnp.float32)
    w_raw = jnp.asarray(1.0, dtype=jnp.float32)
    b = jnp.asarray(0.0, dtype=jnp.float32)
    Wq = jax.random.normal(ks[8], (ATTN_DIM, 2 * EMB_DIM), dtype=jnp.float32) * 0.02
    Wk = jax.random.normal(ks[9], (ATTN_DIM, 2 * EMB_DIM), dtype=jnp.float32) * 0.02
    rel_bias = jax.random.normal(ks[10], (NUM_REL, 1), dtype=jnp.float32) * 0.02
    dir_bias = jax.random.normal(ks[11], (2, 1), dtype=jnp.float32) * 0.02
    return {
        'anchor_ids': anchor_ids,
        'entity_embedding': entity_embedding,
        'relation_phase': relation_phase,
        'nbr_ent': nbr_ent,
        'nbr_rel': nbr_rel,
        'nbr_dir': nbr_dir,
        'nbr_mask': nbr_mask,
        'freq': freq,
        'a_vec': a_vec,
        'eta_raw': eta_raw,
        'w_raw': w_raw,
        'b': b,
        'Wq': Wq,
        'Wk': Wk,
        'rel_bias': rel_bias,
        'dir_bias': dir_bias,
    }


def reference(anchor_ids, entity_embedding, relation_phase, nbr_ent, nbr_rel, nbr_dir,
              nbr_mask, freq, a_vec, eta_raw, w_raw, b, Wq, Wk, rel_bias, dir_bias):
    # ---- _compute_ctx ----
    a_ent = jnp.take(nbr_ent, anchor_ids, axis=0)   # [B, K]
    a_rel = jnp.take(nbr_rel, anchor_ids, axis=0)   # [B, K]
    a_dir = jnp.take(nbr_dir, anchor_ids, axis=0)   # [B, K] bool
    a_msk = jnp.take(nbr_mask, anchor_ids, axis=0)  # [B, K] bool
    e_j = jnp.take(entity_embedding, a_ent, axis=0)  # [B, K, 2D]
    re_j, im_j = jnp.split(e_j, 2, axis=-1)
    # rotate_model.get_relation_reim: phase-parameterized rotation
    phase = jnp.take(relation_phase, a_rel, axis=0)  # [B, K, D]
    re_r = jnp.cos(phase)
    im_r = jnp.sin(phase)
    re_sel = jnp.where(a_dir[..., None], re_r, re_r)
    im_sel = jnp.where(a_dir[..., None], -im_r, im_r)
    re_msg = re_j * re_sel - im_j * im_sel
    im_msg = re_j * im_sel + im_j * re_sel
    hat = jnp.concatenate([re_msg, im_msg], axis=-1)  # [B, K, 2D]
    e_i = jnp.take(entity_embedding, anchor_ids, axis=0)  # [B, 2D]
    q = (e_i @ Wq.T)[:, None, :]                # [B, 1, A]
    k = hat @ Wk.T                              # [B, K, A]
    scale = max(ATTN_DIM ** 0.5, 1e-06)
    logits = jnp.sum(q * k, axis=-1) / scale    # [B, K]
    logits = logits.astype(jnp.float32)
    dir_id = a_dir.astype(jnp.int32)
    logits = logits + jnp.take(rel_bias, a_rel, axis=0)[..., 0] \
                    + jnp.take(dir_bias, dir_id, axis=0)[..., 0]
    logits = jnp.where(a_msk, logits, -10000.0)
    has_nbr = jnp.any(a_msk, axis=1)            # [B]
    logits = jnp.where(has_nbr[:, None], logits, 0.0)
    attn = jax.nn.softmax(logits, axis=1)
    attn = jnp.where(has_nbr[:, None], attn, 0.0)
    delta = jnp.sum(attn[..., None] * hat, axis=1)  # [B, 2D]
    delta = jnp.where(has_nbr[:, None], delta, e_i)
    # ---- refine_anchor ----
    f = jnp.take(freq, anchor_ids, axis=0)
    logf = jnp.log1p(f)
    w = jax.nn.softplus(w_raw)
    eta = ETA_MAX * jax.nn.sigmoid(eta_raw + w * (-logf) + b)
    eta = eta * has_nbr.astype(jnp.float32)
    re_delta, im_delta = jnp.split(delta, 2, axis=-1)
    a = a_vec[None, :]
    re_delta = a * re_delta
    im_delta = a * im_delta
    re_i, im_i = jnp.split(e_i, 2, axis=-1)
    re_out = re_i + eta[:, None] * (re_delta - re_i)
    im_out = im_i + eta[:, None] * (im_delta - im_i)
    return jnp.concatenate([re_out, im_out], axis=-1)  # [B, 2D]

if __name__ == "__main__":
    import jax
    _d = setup_inputs()
    print(jax.jit(kernel)(*tuple(_d.values())))

</pallas_src>

<mosaic_0001>
#map = affine_map<(d0, d1) -> (0)>
#map1 = affine_map<(d0, d1) -> (0, 0)>
module attributes {stable_mosaic.version = 14 : i64} {
  func.func @sc2(%arg0: i32, %arg1: i32, %arg2: memref<131072xi32, #tpu.memory_space<hbm>>, %arg3: memref<131072xi32, #tpu.memory_space<hbm>>, %arg4: memref<50000x256xf32, #tpu.memory_space<hbm>>, %arg5: memref<1000x384xf32, #tpu.memory_space<hbm>>, %arg6: memref<131072x256xf32, #tpu.memory_space<hbm>>, %arg7: memref<131072x384xf32, #tpu.memory_space<hbm>>, %arg8: memref<128xi32, #tpu.memory_space<vmem>>, %arg9: memref<128xi32, #tpu.memory_space<vmem>>, %arg10: memref<128x256xf32, #tpu.memory_space<vmem>>, %arg11: memref<128x384xf32, #tpu.memory_space<vmem>>, %arg12: memref<!tpu.dma_semaphore, #tpu.memory_space<semaphore_mem>>) attributes {dimension_semantics = [#tpu.dimension_semantics<core_parallel>, #tpu.dimension_semantics<subcore_parallel>], iteration_bounds = array<i64: 2, 16>, scalar_prefetch = 0 : i64, scratch_operands = 5 : i64, tpu.core_type = #tpu.core_type<sc_vector_subcore>, window_params = [{transform_indices = #map}, {transform_indices = #map}, {transform_indices = #map1}, {transform_indices = #map1}, {transform_indices = #map1}, {transform_indices = #map1}]} {
    %mul3A = arith.constant 2 : i32
    %mul3A_0 = arith.muli %arg1, %mul3A : i32
    %add3A = arith.addi %mul3A_0, %arg0 : i32
    %mul3A_1 = arith.constant 4096 : i32
    %mul3A_2 = arith.muli %add3A, %mul3A_1 : i32
    %scan3A = arith.constant 0 : i32
    %scan3A_3 = arith.constant 0 : i32
    %scan3A_4 = arith.constant 32 : i32
    %scan3A_5 = arith.addi %scan3A_3, %scan3A_4 : i32
    %scan3A_6 = arith.constant 1 : i32
    scf.for %scan3A_8 = %scan3A_3 to %scan3A_5 step %scan3A_6  : i32 {
      %mul3A_9 = arith.constant 128 : i32
      %mul3A_10 = arith.muli %scan3A_8, %mul3A_9 : i32
      %add3A_11 = arith.addi %mul3A_2, %mul3A_10 : i32
      "tpu.region"() ({
        %run_scoped3A = tpu.sem_alloc : memref<!tpu.dma_semaphore, #tpu.memory_space<semaphore_mem>>
        %dma_start3A_22 = tpu.memref_slice %arg2[%add3A_11] : memref<131072xi32, #tpu.memory_space<hbm>> -> memref<128xi32, #tpu.memory_space<hbm>>
        %dma_start3A_23 = tpu.memref_slice %arg2[%add3A_11] : memref<131072xi32, #tpu.memory_space<hbm>> -> memref<128xi32, #tpu.memory_space<hbm>>
        tpu.enqueue_dma source(%dma_start3A_23 : memref<128xi32, #tpu.memory_space<hbm>>) target(%arg8 : memref<128xi32, #tpu.memory_space<vmem>>) target_semaphore(%run_scoped3A : memref<!tpu.dma_semaphore, #tpu.memory_space<semaphore_mem>>)
        %dma_wait3A_24 = tpu.memref_slice %arg2[%add3A_11] : memref<131072xi32, #tpu.memory_space<hbm>> -> memref<128xi32, #tpu.memory_space<hbm>>
        %dma_wait3A_25 = tpu.memref_slice %arg2[%add3A_11] : memref<131072xi32, #tpu.memory_space<hbm>> -> memref<128xi32, #tpu.memory_space<hbm>>
        tpu.wait_dma2 semaphore(%run_scoped3A : memref<!tpu.dma_semaphore, #tpu.memory_space<semaphore_mem>>) src(%dma_wait3A_25 : memref<128xi32, #tpu.memory_space<hbm>>) dst(%arg8 : memref<128xi32, #tpu.memory_space<vmem>>)
        tpu.yield
      }) : () -> ()
      "tpu.region"() ({
        %run_scoped3A = tpu.sem_alloc : memref<!tpu.dma_semaphore, #tpu.memory_space<semaphore_mem>>
        %dma_start3A_22 = tpu.memref_slice %arg3[%add3A_11] : memref<131072xi32, #tpu.memory_space<hbm>> -> memref<128xi32, #tpu.memory_space<hbm>>
        %dma_start3A_23 = tpu.memref_slice %arg3[%add3A_11] : memref<131072xi32, #tpu.memory_space<hbm>> -> memref<128xi32, #tpu.memory_space<hbm>>
        tpu.enqueue_dma source(%dma_start3A_23 : memref<128xi32, #tpu.memory_space<hbm>>) target(%arg9 : memref<128xi32, #tpu.memory_space<vmem>>) target_semaphore(%run_scoped3A : memref<!tpu.dma_semaphore, #tpu.memory_space<semaphore_mem>>)
        %dma_wait3A_24 = tpu.memref_slice %arg3[%add3A_11] : memref<131072xi32, #tpu.memory_space<hbm>> -> memref<128xi32, #tpu.memory_space<hbm>>
        %dma_wait3A_25 = tpu.memref_slice %arg3[%add3A_11] : memref<131072xi32, #tpu.memory_space<hbm>> -> memref<128xi32, #tpu.memory_space<hbm>>
        tpu.wait_dma2 semaphore(%run_scoped3A : memref<!tpu.dma_semaphore, #tpu.memory_space<semaphore_mem>>) src(%dma_wait3A_25 : memref<128xi32, #tpu.memory_space<hbm>>) dst(%arg9 : memref<128xi32, #tpu.memory_space<vmem>>)
        tpu.yield
      }) : () -> ()
      %dma_start3A = arith.constant 0 : i32
      %dma_start3A_12 = arith.constant 0 : i32
      %dma_start3A_13 = tpu.memref_slice %arg4[%dma_start3A, %dma_start3A_12] : memref<50000x256xf32, #tpu.memory_space<hbm>> -> memref<50000x256xf32, #tpu.memory_space<hbm>>
      tpu.enqueue_indirect_dma source(%dma_start3A_13 : memref<50000x256xf32, #tpu.memory_space<hbm>>) target(%arg10 : memref<128x256xf32, #tpu.memory_space<vmem>>) offsets(%arg8 : memref<128xi32, #tpu.memory_space<vmem>>) semaphore(%arg12 : memref<!tpu.dma_semaphore, #tpu.memory_space<semaphore_mem>>)
      %dma_start3A_14 = arith.constant 0 : i32
      %dma_start3A_15 = arith.constant 0 : i32
      %dma_start3A_16 = tpu.memref_slice %arg5[%dma_start3A_14, %dma_start3A_15] : memref<1000x384xf32, #tpu.memory_space<hbm>> -> memref<1000x384xf32, #tpu.memory_space<hbm>>
      tpu.enqueue_indirect_dma source(%dma_start3A_16 : memref<1000x384xf32, #tpu.memory_space<hbm>>) target(%arg11 : memref<128x384xf32, #tpu.memory_space<vmem>>) offsets(%arg9 : memref<128xi32, #tpu.memory_space<vmem>>) semaphore(%arg12 : memref<!tpu.dma_semaphore, #tpu.memory_space<semaphore_mem>>)
      %dma_wait3A = arith.constant 0 : i32
      %dma_wait3A_17 = arith.constant 0 : i32
      %dma_wait3A_18 = tpu.memref_slice %arg4[%dma_wait3A, %dma_wait3A_17] : memref<50000x256xf32, #tpu.memory_space<hbm>> -> memref<50000x256xf32, #tpu.memory_space<hbm>>
      tpu.wait_indirect_dma semaphore(%arg12 : memref<!tpu.dma_semaphore, #tpu.memory_space<semaphore_mem>>) src(%dma_wait3A_18 : memref<50000x256xf32, #tpu.memory_space<hbm>>) dst(%arg10 : memref<128x256xf32, #tpu.memory_space<vmem>>)
      %dma_wait3A_19 = arith.constant 0 : i32
      %dma_wait3A_20 = arith.constant 0 : i32
      %dma_wait3A_21 = tpu.memref_slice %arg5[%dma_wait3A_19, %dma_wait3A_20] : memref<1000x384xf32, #tpu.memory_space<hbm>> -> memref<1000x384xf32, #tpu.memory_space<hbm>>
      tpu.wait_indirect_dma semaphore(%arg12 : memref<!tpu.dma_semaphore, #tpu.memory_space<semaphore_mem>>) src(%dma_wait3A_21 : memref<1000x384xf32, #tpu.memory_space<hbm>>) dst(%arg11 : memref<128x384xf32, #tpu.memory_space<vmem>>)
      "tpu.region"() ({
        %run_scoped3A = tpu.sem_alloc : memref<!tpu.dma_semaphore, #tpu.memory_space<semaphore_mem>>
        %dma_start3A_22 = arith.constant 0 : i32
        %dma_start3A_23 = tpu.memref_slice %arg6[%add3A_11, %dma_start3A_22] : memref<131072x256xf32, #tpu.memory_space<hbm>> -> memref<128x256xf32, #tpu.memory_space<hbm>>
        %dma_start3A_24 = arith.constant 0 : i32
        %dma_start3A_25 = tpu.memref_slice %arg6[%add3A_11, %dma_start3A_24] : memref<131072x256xf32, #tpu.memory_space<hbm>> -> memref<128x256xf32, #tpu.memory_space<hbm>>
        tpu.enqueue_dma source(%arg10 : memref<128x256xf32, #tpu.memory_space<vmem>>) target(%dma_start3A_25 : memref<128x256xf32, #tpu.memory_space<hbm>>) target_semaphore(%run_scoped3A : memref<!tpu.dma_semaphore, #tpu.memory_space<semaphore_mem>>)
        %dma_wait3A_26 = arith.constant 0 : i32
        %dma_wait3A_27 = tpu.memref_slice %arg6[%add3A_11, %dma_wait3A_26] : memref<131072x256xf32, #tpu.memory_space<hbm>> -> memref<128x256xf32, #tpu.memory_space<hbm>>
        %dma_wait3A_28 = arith.constant 0 : i32
        %dma_wait3A_29 = tpu.memref_slice %arg6[%add3A_11, %dma_wait3A_28] : memref<131072x256xf32, #tpu.memory_space<hbm>> -> memref<128x256xf32, #tpu.memory_space<hbm>>
        tpu.wait_dma2 semaphore(%run_scoped3A : memref<!tpu.dma_semaphore, #tpu.memory_space<semaphore_mem>>) src(%arg10 : memref<128x256xf32, #tpu.memory_space<vmem>>) dst(%dma_wait3A_29 : memref<128x256xf32, #tpu.memory_space<hbm>>)
        tpu.yield
      }) : () -> ()
      "tpu.region"() ({
        %run_scoped3A = tpu.sem_alloc : memref<!tpu.dma_semaphore, #tpu.memory_space<semaphore_mem>>
        %dma_start3A_22 = arith.constant 0 : i32
        %dma_start3A_23 = tpu.memref_slice %arg7[%add3A_11, %dma_start3A_22] : memref<131072x384xf32, #tpu.memory_space<hbm>> -> memref<128x384xf32, #tpu.memory_space<hbm>>
        %dma_start3A_24 = arith.constant 0 : i32
        %dma_start3A_25 = tpu.memref_slice %arg7[%add3A_11, %dma_start3A_24] : memref<131072x384xf32, #tpu.memory_space<hbm>> -> memref<128x384xf32, #tpu.memory_space<hbm>>
        tpu.enqueue_dma source(%arg11 : memref<128x384xf32, #tpu.memory_space<vmem>>) target(%dma_start3A_25 : memref<128x384xf32, #tpu.memory_space<hbm>>) target_semaphore(%run_scoped3A : memref<!tpu.dma_semaphore, #tpu.memory_space<semaphore_mem>>)
        %dma_wait3A_26 = arith.constant 0 : i32
        %dma_wait3A_27 = tpu.memref_slice %arg7[%add3A_11, %dma_wait3A_26] : memref<131072x384xf32, #tpu.memory_space<hbm>> -> memref<128x384xf32, #tpu.memory_space<hbm>>
        %dma_wait3A_28 = arith.constant 0 : i32
        %dma_wait3A_29 = tpu.memref_slice %arg7[%add3A_11, %dma_wait3A_28] : memref<131072x384xf32, #tpu.memory_space<hbm>> -> memref<128x384xf32, #tpu.memory_space<hbm>>
        tpu.wait_dma2 semaphore(%run_scoped3A : memref<!tpu.dma_semaphore, #tpu.memory_space<semaphore_mem>>) src(%arg11 : memref<128x384xf32, #tpu.memory_space<vmem>>) dst(%dma_wait3A_29 : memref<128x384xf32, #tpu.memory_space<hbm>>)
        tpu.yield
      }) : () -> ()
    }
    %scan3A_7 = arith.constant 32 : i32
    return
  }
}

#map = affine_map<(d0, d1) -> (0)>
#map1 = affine_map<(d0, d1) -> (0, 0)>
module attributes {stable_mosaic.version = 14 : i64} {
  func.func @sc1(%arg0: i32, %arg1: i32, %arg2: memref<8192xi32, #tpu.memory_space<hbm>>, %arg3: memref<50000x128xi32, #tpu.memory_space<hbm>>, %arg4: memref<50000x256xf32, #tpu.memory_space<hbm>>, %arg5: memref<8192x128xi32, #tpu.memory_space<hbm>>, %arg6: memref<8192x256xf32, #tpu.memory_space<hbm>>, %arg7: memref<256xi32, #tpu.memory_space<vmem>>, %arg8: memref<256x128xi32, #tpu.memory_space<vmem>>, %arg9: memref<256x256xf32, #tpu.memory_space<vmem>>, %arg10: memref<!tpu.dma_semaphore, #tpu.memory_space<semaphore_mem>>) attributes {dimension_semantics = [#tpu.dimension_semantics<core_parallel>, #tpu.dimension_semantics<subcore_parallel>], iteration_bounds = array<i64: 2, 16>, scalar_prefetch = 0 : i64, scratch_operands = 4 : i64, tpu.core_type = #tpu.core_type<sc_vector_subcore>, window_params = [{transform_indices = #map}, {transform_indices = #map1}, {transform_indices = #map1}, {transform_indices = #map1}, {transform_indices = #map1}]} {
    %mul3A = arith.constant 2 : i32
    %mul3A_0 = arith.muli %arg1, %mul3A : i32
    %add3A = arith.addi %mul3A_0, %arg0 : i32
    %mul3A_1 = arith.constant 256 : i32
    %mul3A_2 = arith.muli %add3A, %mul3A_1 : i32
    "tpu.region"() ({
      %run_scoped3A = tpu.sem_alloc : memref<!tpu.dma_semaphore, #tpu.memory_space<semaphore_mem>>
      %dma_start3A_65 = tpu.memref_slice %arg2[%mul3A_2] : memref<8192xi32, #tpu.memory_space<hbm>> -> memref<256xi32, #tpu.memory_space<hbm>>
      %dma_start3A_66 = tpu.memref_slice %arg2[%mul3A_2] : memref<8192xi32, #tpu.memory_space<hbm>> -> memref<256xi32, #tpu.memory_space<hbm>>
      tpu.enqueue_dma source(%dma_start3A_66 : memref<256xi32, #tpu.memory_space<hbm>>) target(%arg7 : memref<256xi32, #tpu.memory_space<vmem>>) target_semaphore(%run_scoped3A : memref<!tpu.dma_semaphore, #tpu.memory_space<semaphore_mem>>)
      %dma_wait3A_67 = tpu.memref_slice %arg2[%mul3A_2] : memref<8192xi32, #tpu.memory_space<hbm>> -> memref<256xi32, #tpu.memory_space<hbm>>
      %dma_wait3A_68 = tpu.memref_slice %arg2[%mul3A_2] : memref<8192xi32, #tpu.memory_space<hbm>> -> memref<256xi32, #tpu.memory_space<hbm>>
      tpu.wait_dma2 semaphore(%run_scoped3A : memref<!tpu.dma_semaphore, #tpu.memory_space<semaphore_mem>>) src(%dma_wait3A_68 : memref<256xi32, #tpu.memory_space<hbm>>) dst(%arg7 : memref<256xi32, #tpu.memory_space<vmem>>)
      tpu.yield
    }) : () -> ()
    %dma_start3A = arith.constant 0 : i32
    %dma_start3A_3 = arith.constant 0 : i32
    %dma_start3A_4 = tpu.memref_slice %arg8[%dma_start3A, %dma_start3A_3] : memref<256x128xi32, #tpu.memory_space<vmem>> -> memref<128x128xi32, #tpu.memory_space<vmem>>
    %dma_start3A_5 = arith.constant 0 : i32
    %dma_start3A_6 = tpu.memref_slice %arg7[%dma_start3A_5] : memref<256xi32, #tpu.memory_space<vmem>> -> memref<128xi32, #tpu.memory_space<vmem>>
    %dma_start3A_7 = arith.constant 0 : i32
    %dma_start3A_8 = arith.constant 0 : i32
    %dma_start3A_9 = tpu.memref_slice %arg3[%dma_start3A_7, %dma_start3A_8] : memref<50000x128xi32, #tpu.memory_space<hbm>> -> memref<50000x128xi32, #tpu.memory_space<hbm>>
    tpu.enqueue_indirect_dma source(%dma_start3A_9 : memref<50000x128xi32, #tpu.memory_space<hbm>>) target(%dma_start3A_4 : memref<128x128xi32, #tpu.memory_space<vmem>>) offsets(%dma_start3A_6 : memref<128xi32, #tpu.memory_space<vmem>>) semaphore(%arg10 : memref<!tpu.dma_semaphore, #tpu.memory_space<semaphore_mem>>)
    %dma_start3A_10 = arith.constant 0 : i32
    %dma_start3A_11 = arith.constant 0 : i32
    %dma_start3A_12 = tpu.memref_slice %arg9[%dma_start3A_10, %dma_start3A_11] : memref<256x256xf32, #tpu.memory_space<vmem>> -> memref<128x256xf32, #tpu.memory_space<vmem>>
    %dma_start3A_13 = arith.constant 0 : i32
    %dma_start3A_14 = tpu.memref_slice %arg7[%dma_start3A_13] : memref<256xi32, #tpu.memory_space<vmem>> -> memref<128xi32, #tpu.memory_space<vmem>>
    %dma_start3A_15 = arith.constant 0 : i32
    %dma_start3A_16 = arith.constant 0 : i32
    %dma_start3A_17 = tpu.memref_slice %arg4[%dma_start3A_15, %dma_start3A_16] : memref<50000x256xf32, #tpu.memory_space<hbm>> -> memref<50000x256xf32, #tpu.memory_space<hbm>>
    tpu.enqueue_indirect_dma source(%dma_start3A_17 : memref<50000x256xf32, #tpu.memory_space<hbm>>) target(%dma_start3A_12 : memref<128x256xf32, #tpu.memory_space<vmem>>) offsets(%dma_start3A_14 : memref<128xi32, #tpu.memory_space<vmem>>) semaphore(%arg10 : memref<!tpu.dma_semaphore, #tpu.memory_space<semaphore_mem>>)
    %dma_start3A_18 = arith.constant 128 : i32
    %dma_start3A_19 = arith.constant 0 : i32
    %dma_start3A_20 = tpu.memref_slice %arg8[%dma_start3A_18, %dma_start3A_19] : memref<256x128xi32, #tpu.memory_space<vmem>> -> memref<128x128xi32, #tpu.memory_space<vmem>>
    %dma_start3A_21 = arith.constant 128 : i32
    %dma_start3A_22 = tpu.memref_slice %arg7[%dma_start3A_21] : memref<256xi32, #tpu.memory_space<vmem>> -> memref<128xi32, #tpu.memory_space<vmem>>
    %dma_start3A_23 = arith.constant 0 : i32
    %dma_start3A_24 = arith.constant 0 : i32
    %dma_start3A_25 = tpu.memref_slice %arg3[%dma_start3A_23, %dma_start3A_24] : memref<50000x128xi32, #tpu.memory_space<hbm>> -> memref<50000x128xi32, #tpu.memory_space<hbm>>
    tpu.enqueue_indirect_dma source(%dma_start3A_25 : memref<50000x128xi32, #tpu.memory_space<hbm>>) target(%dma_start3A_20 : memref<128x128xi32, #tpu.memory_space<vmem>>) offsets(%dma_start3A_22 : memref<128xi32, #tpu.memory_space<vmem>>) semaphore(%arg10 : memref<!tpu.dma_semaphore, #tpu.memory_space<semaphore_mem>>)
    %dma_start3A_26 = arith.constant 128 : i32
    %dma_start3A_27 = arith.constant 0 : i32
    %dma_start3A_28 = tpu.memref_slice %arg9[%dma_start3A_26, %dma_start3A_27] : memref<256x256xf32, #tpu.memory_space<vmem>> -> memref<128x256xf32, #tpu.memory_space<vmem>>
    %dma_start3A_29 = arith.constant 128 : i32
    %dma_start3A_30 = tpu.memref_slice %arg7[%dma_start3A_29] : memref<256xi32, #tpu.memory_space<vmem>> -> memref<128xi32, #tpu.memory_space<vmem>>
    %dma_start3A_31 = arith.constant 0 : i32
    %dma_start3A_32 = arith.constant 0 : i32
    %dma_start3A_33 = tpu.memref_slice %arg4[%dma_start3A_31, %dma_start3A_32] : memref<50000x256xf32, #tpu.memory_space<hbm>> -> memref<50000x256xf32, #tpu.memory_space<hbm>>
    tpu.enqueue_indirect_dma source(%dma_start3A_33 : memref<50000x256xf32, #tpu.memory_space<hbm>>) target(%dma_start3A_28 : memref<128x256xf32, #tpu.memory_space<vmem>>) offsets(%dma_start3A_30 : memref<128xi32, #tpu.memory_space<vmem>>) semaphore(%arg10 : memref<!tpu.dma_semaphore, #tpu.memory_space<semaphore_mem>>)
    %dma_wait3A = arith.constant 0 : i32
    %dma_wait3A_34 = arith.constant 0 : i32
    %dma_wait3A_35 = tpu.memref_slice %arg8[%dma_wait3A, %dma_wait3A_34] : memref<256x128xi32, #tpu.memory_space<vmem>> -> memref<128x128xi32, #tpu.memory_space<vmem>>
    %dma_wait3A_36 = arith.constant 0 : i32
    %dma_wait3A_37 = tpu.memref_slice %arg7[%dma_wait3A_36] : memref<256xi32, #tpu.memory_space<vmem>> -> memref<128xi32, #tpu.memory_space<vmem>>
    %dma_wait3A_38 = arith.constant 0 : i32
    %dma_wait3A_39 = arith.constant 0 : i32
    %dma_wait3A_40 = tpu.memref_slice %arg3[%dma_wait3A_38, %dma_wait3A_39] : memref<50000x128xi32, #tpu.memory_space<hbm>> -> memref<50000x128xi32, #tpu.memory_space<hbm>>
    tpu.wait_indirect_dma semaphore(%arg10 : memref<!tpu.dma_semaphore, #tpu.memory_space<semaphore_mem>>) src(%dma_wait3A_40 : memref<50000x128xi32, #tpu.memory_space<hbm>>) dst(%dma_wait3A_35 : memref<128x128xi32, #tpu.memory_space<vmem>>)
    %dma_wait3A_41 = arith.constant 0 : i32
    %dma_wait3A_42 = arith.constant 0 : i32
    %dma_wait3A_43 = tpu.memref_slice %arg9[%dma_wait3A_41, %dma_wait3A_42] : memref<256x256xf32, #tpu.memory_space<vmem>> -> memref<128x256xf32, #tpu.memory_space<vmem>>
    %dma_wait3A_44 = arith.constant 0 : i32
    %dma_wait3A_45 = tpu.memref_slice %arg7[%dma_wait3A_44] : memref<256xi32, #tpu.memory_space<vmem>> -> memref<128xi32, #tpu.memory_space<vmem>>
    %dma_wait3A_46 = arith.constant 0 : i32
    %dma_wait3A_47 = arith.constant 0 : i32
    %dma_wait3A_48 = tpu.memref_slice %arg4[%dma_wait3A_46, %dma_wait3A_47] : memref<50000x256xf32, #tpu.memory_space<hbm>> -> memref<50000x256xf32, #tpu.memory_space<hbm>>
    tpu.wait_indirect_dma semaphore(%arg10 : memref<!tpu.dma_semaphore, #tpu.memory_space<semaphore_mem>>) src(%dma_wait3A_48 : memref<50000x256xf32, #tpu.memory_space<hbm>>) dst(%dma_wait3A_43 : memref<128x256xf32, #tpu.memory_space<vmem>>)
    %dma_wait3A_49 = arith.constant 128 : i32
    %dma_wait3A_50 = arith.constant 0 : i32
    %dma_wait3A_51 = tpu.memref_slice %arg8[%dma_wait3A_49, %dma_wait3A_50] : memref<256x128xi32, #tpu.memory_space<vmem>> -> memref<128x128xi32, #tpu.memory_space<vmem>>
    %dma_wait3A_52 = arith.constant 128 : i32
    %dma_wait3A_53 = tpu.memref_slice %arg7[%dma_wait3A_52] : memref<256xi32, #tpu.memory_space<vmem>> -> memref<128xi32, #tpu.memory_space<vmem>>
    %dma_wait3A_54 = arith.constant 0 : i32
    %dma_wait3A_55 = arith.constant 0 : i32
    %dma_wait3A_56 = tpu.memref_slice %arg3[%dma_wait3A_54, %dma_wait3A_55] : memref<50000x128xi32, #tpu.memory_space<hbm>> -> memref<50000x128xi32, #tpu.memory_space<hbm>>
    tpu.wait_indirect_dma semaphore(%arg10 : memref<!tpu.dma_semaphore, #tpu.memory_space<semaphore_mem>>) src(%dma_wait3A_56 : memref<50000x128xi32, #tpu.memory_space<hbm>>) dst(%dma_wait3A_51 : memref<128x128xi32, #tpu.memory_space<vmem>>)
    %dma_wait3A_57 = arith.constant 128 : i32
    %dma_wait3A_58 = arith.constant 0 : i32
    %dma_wait3A_59 = tpu.memref_slice %arg9[%dma_wait3A_57, %dma_wait3A_58] : memref<256x256xf32, #tpu.memory_space<vmem>> -> memref<128x256xf32, #tpu.memory_space<vmem>>
    %dma_wait3A_60 = arith.constant 128 : i32
    %dma_wait3A_61 = tpu.memref_slice %arg7[%dma_wait3A_60] : memref<256xi32, #tpu.memory_space<vmem>> -> memref<128xi32, #tpu.memory_space<vmem>>
    %dma_wait3A_62 = arith.constant 0 : i32
    %dma_wait3A_63 = arith.constant 0 : i32
    %dma_wait3A_64 = tpu.memref_slice %arg4[%dma_wait3A_62, %dma_wait3A_63] : memref<50000x256xf32, #tpu.memory_space<hbm>> -> memref<50000x256xf32, #tpu.memory_space<hbm>>
    tpu.wait_indirect_dma semaphore(%arg10 : memref<!tpu.dma_semaphore, #tpu.memory_space<semaphore_mem>>) src(%dma_wait3A_64 : memref<50000x256xf32, #tpu.memory_space<hbm>>) dst(%dma_wait3A_59 : memref<128x256xf32, #tpu.memory_space<vmem>>)
    "tpu.region"() ({
      %run_scoped3A = tpu.sem_alloc : memref<!tpu.dma_semaphore, #tpu.memory_space<semaphore_mem>>
      %dma_start3A_65 = arith.constant 0 : i32
      %dma_start3A_66 = tpu.memref_slice %arg5[%mul3A_2, %dma_start3A_65] : memref<8192x128xi32, #tpu.memory_space<hbm>> -> memref<256x128xi32, #tpu.memory_space<hbm>>
      %dma_start3A_67 = arith.constant 0 : i32
      %dma_start3A_68 = tpu.memref_slice %arg5[%mul3A_2, %dma_start3A_67] : memref<8192x128xi32, #tpu.memory_space<hbm>> -> memref<256x128xi32, #tpu.memory_space<hbm>>
      tpu.enqueue_dma source(%arg8 : memref<256x128xi32, #tpu.memory_space<vmem>>) target(%dma_start3A_68 : memref<256x128xi32, #tpu.memory_space<hbm>>) target_semaphore(%run_scoped3A : memref<!tpu.dma_semaphore, #tpu.memory_space<semaphore_mem>>)
      %dma_wait3A_69 = arith.constant 0 : i32
      %dma_wait3A_70 = tpu.memref_slice %arg5[%mul3A_2, %dma_wait3A_69] : memref<8192x128xi32, #tpu.memory_space<hbm>> -> memref<256x128xi32, #tpu.memory_space<hbm>>
      %dma_wait3A_71 = arith.constant 0 : i32
      %dma_wait3A_72 = tpu.memref_slice %arg5[%mul3A_2, %dma_wait3A_71] : memref<8192x128xi32, #tpu.memory_space<hbm>> -> memref<256x128xi32, #tpu.memory_space<hbm>>
      tpu.wait_dma2 semaphore(%run_scoped3A : memref<!tpu.dma_semaphore, #tpu.memory_space<semaphore_mem>>) src(%arg8 : memref<256x128xi32, #tpu.memory_space<vmem>>) dst(%dma_wait3A_72 : memref<256x128xi32, #tpu.memory_space<hbm>>)
      tpu.yield
    }) : () -> ()
    "tpu.region"() ({
      %run_scoped3A = tpu.sem_alloc : memref<!tpu.dma_semaphore, #tpu.memory_space<semaphore_mem>>
      %dma_start3A_65 = arith.constant 0 : i32
      %dma_start3A_66 = tpu.memref_slice %arg6[%mul3A_2, %dma_start3A_65] : memref<8192x256xf32, #tpu.memory_space<hbm>> -> memref<256x256xf32, #tpu.memory_space<hbm>>
      %dma_start3A_67 = arith.constant 0 : i32
      %dma_start3A_68 = tpu.memref_slice %arg6[%mul3A_2, %dma_start3A_67] : memref<8192x256xf32, #tpu.memory_space<hbm>> -> memref<256x256xf32, #tpu.memory_space<hbm>>
      tpu.enqueue_dma source(%arg9 : memref<256x256xf32, #tpu.memory_space<vmem>>) target(%dma_start3A_68 : memref<256x256xf32, #tpu.memory_space<hbm>>) target_semaphore(%run_scoped3A : memref<!tpu.dma_semaphore, #tpu.memory_space<semaphore_mem>>)
      %dma_wait3A_69 = arith.constant 0 : i32
      %dma_wait3A_70 = tpu.memref_slice %arg6[%mul3A_2, %dma_wait3A_69] : memref<8192x256xf32, #tpu.memory_space<hbm>> -> memref<256x256xf32, #tpu.memory_space<hbm>>
      %dma_wait3A_71 = arith.constant 0 : i32
      %dma_wait3A_72 = tpu.memref_slice %arg6[%mul3A_2, %dma_wait3A_71] : memref<8192x256xf32, #tpu.memory_space<hbm>> -> memref<256x256xf32, #tpu.memory_space<hbm>>
      tpu.wait_dma2 semaphore(%run_scoped3A : memref<!tpu.dma_semaphore, #tpu.memory_space<semaphore_mem>>) src(%arg9 : memref<256x256xf32, #tpu.memory_space<vmem>>) dst(%dma_wait3A_72 : memref<256x256xf32, #tpu.memory_space<hbm>>)
      tpu.yield
    }) : () -> ()
    return
  }
}

#map = affine_map<(d0, d1) -> (0)>
#map1 = affine_map<(d0, d1) -> (0, 0)>
module attributes {stable_mosaic.version = 14 : i64} {
  func.func @sc2(%arg0: i32, %arg1: i32, %arg2: memref<131072xi32, #tpu.memory_space<hbm>>, %arg3: memref<131072xi32, #tpu.memory_space<hbm>>, %arg4: memref<50000x256xf32, #tpu.memory_space<hbm>>, %arg5: memref<1000x384xf32, #tpu.memory_space<hbm>>, %arg6: memref<131072x256xf32, #tpu.memory_space<hbm>>, %arg7: memref<131072x384xf32, #tpu.memory_space<hbm>>, %arg8: memref<128xi32, #tpu.memory_space<vmem>>, %arg9: memref<128xi32, #tpu.memory_space<vmem>>, %arg10: memref<128x256xf32, #tpu.memory_space<vmem>>, %arg11: memref<128x384xf32, #tpu.memory_space<vmem>>, %arg12: memref<!tpu.dma_semaphore, #tpu.memory_space<semaphore_mem>>) attributes {dimension_semantics = [#tpu.dimension_semantics<core_parallel>, #tpu.dimension_semantics<subcore_parallel>], iteration_bounds = array<i64: 2, 16>, scalar_prefetch = 0 : i64, scratch_operands = 5 : i64, tpu.core_type = #tpu.core_type<sc_vector_subcore>, window_params = [{transform_indices = #map}, {transform_indices = #map}, {transform_indices = #map1}, {transform_indices = #map1}, {transform_indices = #map1}, {transform_indices = #map1}]} {
    %mul3A = arith.constant 2 : i32
    %mul3A_0 = arith.muli %arg1, %mul3A : i32
    %add3A = arith.addi %mul3A_0, %arg0 : i32
    %mul3A_1 = arith.constant 4096 : i32
    %mul3A_2 = arith.muli %add3A, %mul3A_1 : i32
    %scan3A = arith.constant 0 : i32
    %scan3A_3 = arith.constant 0 : i32
    %scan3A_4 = arith.constant 32 : i32
    %scan3A_5 = arith.addi %scan3A_3, %scan3A_4 : i32
    %scan3A_6 = arith.constant 1 : i32
    scf.for %scan3A_8 = %scan3A_3 to %scan3A_5 step %scan3A_6  : i32 {
      %mul3A_9 = arith.constant 128 : i32
      %mul3A_10 = arith.muli %scan3A_8, %mul3A_9 : i32
      %add3A_11 = arith.addi %mul3A_2, %mul3A_10 : i32
      "tpu.region"() ({
        %run_scoped3A = tpu.sem_alloc : memref<!tpu.dma_semaphore, #tpu.memory_space<semaphore_mem>>
        %dma_start3A_22 = tpu.memref_slice %arg2[%add3A_11] : memref<131072xi32, #tpu.memory_space<hbm>> -> memref<128xi32, #tpu.memory_space<hbm>>
        %dma_start3A_23 = tpu.memref_slice %arg2[%add3A_11] : memref<131072xi32, #tpu.memory_space<hbm>> -> memref<128xi32, #tpu.memory_space<hbm>>
        tpu.enqueue_dma source(%dma_start3A_23 : memref<128xi32, #tpu.memory_space<hbm>>) target(%arg8 : memref<128xi32, #tpu.memory_space<vmem>>) target_semaphore(%run_scoped3A : memref<!tpu.dma_semaphore, #tpu.memory_space<semaphore_mem>>)
        %dma_wait3A_24 = tpu.memref_slice %arg2[%add3A_11] : memref<131072xi32, #tpu.memory_space<hbm>> -> memref<128xi32, #tpu.memory_space<hbm>>
        %dma_wait3A_25 = tpu.memref_slice %arg2[%add3A_11] : memref<131072xi32, #tpu.memory_space<hbm>> -> memref<128xi32, #tpu.memory_space<hbm>>
        tpu.wait_dma2 semaphore(%run_scoped3A : memref<!tpu.dma_semaphore, #tpu.memory_space<semaphore_mem>>) src(%dma_wait3A_25 : memref<128xi32, #tpu.memory_space<hbm>>) dst(%arg8 : memref<128xi32, #tpu.memory_space<vmem>>)
        tpu.yield
      }) : () -> ()
      "tpu.region"() ({
        %run_scoped3A = tpu.sem_alloc : memref<!tpu.dma_semaphore, #tpu.memory_space<semaphore_mem>>
        %dma_start3A_22 = tpu.memref_slice %arg3[%add3A_11] : memref<131072xi32, #tpu.memory_space<hbm>> -> memref<128xi32, #tpu.memory_space<hbm>>
        %dma_start3A_23 = tpu.memref_slice %arg3[%add3A_11] : memref<131072xi32, #tpu.memory_space<hbm>> -> memref<128xi32, #tpu.memory_space<hbm>>
        tpu.enqueue_dma source(%dma_start3A_23 : memref<128xi32, #tpu.memory_space<hbm>>) target(%arg9 : memref<128xi32, #tpu.memory_space<vmem>>) target_semaphore(%run_scoped3A : memref<!tpu.dma_semaphore, #tpu.memory_space<semaphore_mem>>)
        %dma_wait3A_24 = tpu.memref_slice %arg3[%add3A_11] : memref<131072xi32, #tpu.memory_space<hbm>> -> memref<128xi32, #tpu.memory_space<hbm>>
        %dma_wait3A_25 = tpu.memref_slice %arg3[%add3A_11] : memref<131072xi32, #tpu.memory_space<hbm>> -> memref<128xi32, #tpu.memory_space<hbm>>
        tpu.wait_dma2 semaphore(%run_scoped3A : memref<!tpu.dma_semaphore, #tpu.memory_space<semaphore_mem>>) src(%dma_wait3A_25 : memref<128xi32, #tpu.memory_space<hbm>>) dst(%arg9 : memref<128xi32, #tpu.memory_space<vmem>>)
        tpu.yield
      }) : () -> ()
      %dma_start3A = arith.constant 0 : i32
      %dma_start3A_12 = arith.constant 0 : i32
      %dma_start3A_13 = tpu.memref_slice %arg4[%dma_start3A, %dma_start3A_12] : memref<50000x256xf32, #tpu.memory_space<hbm>> -> memref<50000x256xf32, #tpu.memory_space<hbm>>
      tpu.enqueue_indirect_dma source(%dma_start3A_13 : memref<50000x256xf32, #tpu.memory_space<hbm>>) target(%arg10 : memref<128x256xf32, #tpu.memory_space<vmem>>) offsets(%arg8 : memref<128xi32, #tpu.memory_space<vmem>>) semaphore(%arg12 : memref<!tpu.dma_semaphore, #tpu.memory_space<semaphore_mem>>)
      %dma_start3A_14 = arith.constant 0 : i32
      %dma_start3A_15 = arith.constant 0 : i32
      %dma_start3A_16 = tpu.memref_slice %arg5[%dma_start3A_14, %dma_start3A_15] : memref<1000x384xf32, #tpu.memory_space<hbm>> -> memref<1000x384xf32, #tpu.memory_space<hbm>>
      tpu.enqueue_indirect_dma source(%dma_start3A_16 : memref<1000x384xf32, #tpu.memory_space<hbm>>) target(%arg11 : memref<128x384xf32, #tpu.memory_space<vmem>>) offsets(%arg9 : memref<128xi32, #tpu.memory_space<vmem>>) semaphore(%arg12 : memref<!tpu.dma_semaphore, #tpu.memory_space<semaphore_mem>>)
      %dma_wait3A = arith.constant 0 : i32
      %dma_wait3A_17 = arith.constant 0 : i32
      %dma_wait3A_18 = tpu.memref_slice %arg4[%dma_wait3A, %dma_wait3A_17] : memref<50000x256xf32, #tpu.memory_space<hbm>> -> memref<50000x256xf32, #tpu.memory_space<hbm>>
      tpu.wait_indirect_dma semaphore(%arg12 : memref<!tpu.dma_semaphore, #tpu.memory_space<semaphore_mem>>) src(%dma_wait3A_18 : memref<50000x256xf32, #tpu.memory_space<hbm>>) dst(%arg10 : memref<128x256xf32, #tpu.memory_space<vmem>>)
      %dma_wait3A_19 = arith.constant 0 : i32
      %dma_wait3A_20 = arith.constant 0 : i32
      %dma_wait3A_21 = tpu.memref_slice %arg5[%dma_wait3A_19, %dma_wait3A_20] : memref<1000x384xf32, #tpu.memory_space<hbm>> -> memref<1000x384xf32, #tpu.memory_space<hbm>>
      tpu.wait_indirect_dma semaphore(%arg12 : memref<!tpu.dma_semaphore, #tpu.memory_space<semaphore_mem>>) src(%dma_wait3A_21 : memref<1000x384xf32, #tpu.memory_space<hbm>>) dst(%arg11 : memref<128x384xf32, #tpu.memory_space<vmem>>)
      "tpu.region"() ({
        %run_scoped3A = tpu.sem_alloc : memref<!tpu.dma_semaphore, #tpu.memory_space<semaphore_mem>>
        %dma_start3A_22 = arith.constant 0 : i32
        %dma_start3A_23 = tpu.memref_slice %arg6[%add3A_11, %dma_start3A_22] : memref<131072x256xf32, #tpu.memory_space<hbm>> -> memref<128x256xf32, #tpu.memory_space<hbm>>
        %dma_start3A_24 = arith.constant 0 : i32
        %dma_start3A_25 = tpu.memref_slice %arg6[%add3A_11, %dma_start3A_24] : memref<131072x256xf32, #tpu.memory_space<hbm>> -> memref<128x256xf32, #tpu.memory_space<hbm>>
        tpu.enqueue_dma source(%arg10 : memref<128x256xf32, #tpu.memory_space<vmem>>) target(%dma_start3A_25 : memref<128x256xf32, #tpu.memory_space<hbm>>) target_semaphore(%run_scoped3A : memref<!tpu.dma_semaphore, #tpu.memory_space<semaphore_mem>>)
        %dma_wait3A_26 = arith.constant 0 : i32
        %dma_wait3A_27 = tpu.memref_slice %arg6[%add3A_11, %dma_wait3A_26] : memref<131072x256xf32, #tpu.memory_space<hbm>> -> memref<128x256xf32, #tpu.memory_space<hbm>>
        %dma_wait3A_28 = arith.constant 0 : i32
        %dma_wait3A_29 = tpu.memref_slice %arg6[%add3A_11, %dma_wait3A_28] : memref<131072x256xf32, #tpu.memory_space<hbm>> -> memref<128x256xf32, #tpu.memory_space<hbm>>
        tpu.wait_dma2 semaphore(%run_scoped3A : memref<!tpu.dma_semaphore, #tpu.memory_space<semaphore_mem>>) src(%arg10 : memref<128x256xf32, #tpu.memory_space<vmem>>) dst(%dma_wait3A_29 : memref<128x256xf32, #tpu.memory_space<hbm>>)
        tpu.yield
      }) : () -> ()
      "tpu.region"() ({
        %run_scoped3A = tpu.sem_alloc : memref<!tpu.dma_semaphore, #tpu.memory_space<semaphore_mem>>
        %dma_start3A_22 = arith.constant 0 : i32
        %dma_start3A_23 = tpu.memref_slice %arg7[%add3A_11, %dma_start3A_22] : memref<131072x384xf32, #tpu.memory_space<hbm>> -> memref<128x384xf32, #tpu.memory_space<hbm>>
        %dma_start3A_24 = arith.constant 0 : i32
        %dma_start3A_25 = tpu.memref_slice %arg7[%add3A_11, %dma_start3A_24] : memref<131072x384xf32, #tpu.memory_space<hbm>> -> memref<128x384xf32, #tpu.memory_space<hbm>>
        tpu.enqueue_dma source(%arg11 : memref<128x384xf32, #tpu.memory_space<vmem>>) target(%dma_start3A_25 : memref<128x384xf32, #tpu.memory_space<hbm>>) target_semaphore(%run_scoped3A : memref<!tpu.dma_semaphore, #tpu.memory_space<semaphore_mem>>)
        %dma_wait3A_26 = arith.constant 0 : i32
        %dma_wait3A_27 = tpu.memref_slice %arg7[%add3A_11, %dma_wait3A_26] : memref<131072x384xf32, #tpu.memory_space<hbm>> -> memref<128x384xf32, #tpu.memory_space<hbm>>
        %dma_wait3A_28 = arith.constant 0 : i32
        %dma_wait3A_29 = tpu.memref_slice %arg7[%add3A_11, %dma_wait3A_28] : memref<131072x384xf32, #tpu.memory_space<hbm>> -> memref<128x384xf32, #tpu.memory_space<hbm>>
        tpu.wait_dma2 semaphore(%run_scoped3A : memref<!tpu.dma_semaphore, #tpu.memory_space<semaphore_mem>>) src(%arg11 : memref<128x384xf32, #tpu.memory_space<vmem>>) dst(%dma_wait3A_29 : memref<128x384xf32, #tpu.memory_space<hbm>>)
        tpu.yield
      }) : () -> ()
    }
    %scan3A_7 = arith.constant 32 : i32
    return
  }
}

module attributes {stable_mosaic.version = 14 : i64} {
  func.func @_tab_body(%arg0: memref<1000x128xf32, #tpu.memory_space<vmem>>, %arg1: memref<1000x128xf32, #tpu.memory_space<vmem>>, %arg2: memref<1000x384xf32, #tpu.memory_space<vmem>>) attributes {dimension_semantics = [], scalar_prefetch = 0 : i64, scratch_operands = 0 : i64, tpu.core_type = #tpu.core_type<tc>} {
    %get3A = arith.constant 0 : index
    %get3A_0 = arith.constant 0 : index
    %get3A_1 = vector.load %arg0[%get3A, %get3A_0] : memref<1000x128xf32, #tpu.memory_space<vmem>>, vector<1000x128xf32>
    %cos3A = math.cos %get3A_1 : vector<1000x128xf32>
    %swap3A = arith.constant 0 : index
    %swap3A_2 = arith.constant 0 : index
    %swap3A_3 = vector.load %arg2[%swap3A, %swap3A_2] : memref<1000x384xf32, #tpu.memory_space<vmem>>, vector<1000x128xf32>
    tpu.vector_store %arg2[%swap3A, %swap3A_2], %cos3A {strides = array<i32>} : memref<1000x384xf32, #tpu.memory_space<vmem>>, vector<1000x128xf32>,
    %sin3A = math.sin %get3A_1 : vector<1000x128xf32>
    %swap3A_4 = arith.constant 0 : index
    %swap3A_5 = arith.constant 128 : index
    %swap3A_6 = vector.load %arg2[%swap3A_4, %swap3A_5] : memref<1000x384xf32, #tpu.memory_space<vmem>>, vector<1000x128xf32>
    tpu.vector_store %arg2[%swap3A_4, %swap3A_5], %sin3A {strides = array<i32>} : memref<1000x384xf32, #tpu.memory_space<vmem>>, vector<1000x128xf32>,
    %get3A_7 = arith.constant 0 : index
    %get3A_8 = arith.constant 0 : index
    %get3A_9 = vector.load %arg1[%get3A_7, %get3A_8] : memref<1000x128xf32, #tpu.memory_space<vmem>>, vector<1000x128xf32>
    %swap3A_10 = arith.constant 0 : index
    %swap3A_11 = arith.constant 256 : index
    %swap3A_12 = vector.load %arg2[%swap3A_10, %swap3A_11] : memref<1000x384xf32, #tpu.memory_space<vmem>>, vector<1000x128xf32>
    tpu.vector_store %arg2[%swap3A_10, %swap3A_11], %get3A_9 {strides = array<i32>} : memref<1000x384xf32, #tpu.memory_space<vmem>>, vector<1000x128xf32>,
    return
  }
}

module attributes {stable_mosaic.version = 14 : i64} {
  func.func @_tc_body(%arg0: i32, %arg1: memref<4096x256xf32, #tpu.memory_space<vmem>>, %arg2: memref<4096x384xf32, #tpu.memory_space<vmem>>, %arg3: memref<128x256xf32, #tpu.memory_space<vmem>>, %arg4: memref<128x128xi32, #tpu.memory_space<vmem>>, %arg5: memref<128x256xf32, #tpu.memory_space<vmem>>, %arg6: memref<128x256xf32, #tpu.memory_space<vmem>>, %arg7: memref<8x128xf32, #tpu.memory_space<vmem>>, %arg8: memref<128x256xf32, #tpu.memory_space<vmem>>) attributes {dimension_semantics = [#tpu.dimension_semantics<arbitrary>], iteration_bounds = array<i64: 32>, scalar_prefetch = 0 : i64, scratch_operands = 0 : i64, tpu.core_type = #tpu.core_type<tc>, window_params = [{transform_indices = @transform_0, window_bounds = array<i64: 4096, 256>}, {transform_indices = @transform_1, window_bounds = array<i64: 4096, 384>}, {transform_indices = @transform_2, window_bounds = array<i64: 128, 256>}, {transform_indices = @transform_3, window_bounds = array<i64: 128, 128>}, {pipeline_mode = #tpu.pipeline_mode<synchronous>, transform_indices = @transform_4, window_bounds = array<i64: 128, 256>}, {pipeline_mode = #tpu.pipeline_mode<synchronous>, transform_indices = @transform_5, window_bounds = array<i64: 128, 256>}, {pipeline_mode = #tpu.pipeline_mode<synchronous>, transform_indices = @transform_6, window_bounds = array<i64: 8, 128>}, {transform_indices = @transform_7, window_bounds = array<i64: 128, 256>}]} {
    %get3A = arith.constant 0 : index
    %get3A_0 = arith.constant 0 : index
    %get3A_1 = vector.load %arg1[%get3A, %get3A_0] : memref<4096x256xf32, #tpu.memory_space<vmem>>, vector<4096x256xf32>
    %get3A_2 = arith.constant 0 : index
    %get3A_3 = arith.constant 0 : index
    %get3A_4 = vector.load %arg2[%get3A_2, %get3A_3] : memref<4096x384xf32, #tpu.memory_space<vmem>>, vector<4096x128xf32>
    %get3A_5 = arith.constant 0 : index
    %get3A_6 = arith.constant 128 : index
    %get3A_7 = vector.load %arg2[%get3A_5, %get3A_6] : memref<4096x384xf32, #tpu.memory_space<vmem>>, vector<4096x128xf32>
    %get3A_8 = arith.constant 0 : index
    %get3A_9 = arith.constant 32 : index
    %get3A_10 = vector.load %arg4[%get3A_8, %get3A_9] : memref<128x128xi32, #tpu.memory_space<vmem>>, vector<128x32xi32>
    %shift_right_arithmetic3A = arith.constant 10 : i32
    %shift_right_arithmetic3A_11 = vector.broadcast %shift_right_arithmetic3A : i32 to vector<128x32xi32>
    %shift_right_arithmetic3A_12 = arith.shrsi %get3A_10, %shift_right_arithmetic3A_11 : vector<128x32xi32>
    %and3A = arith.constant 1 : i32
    %and3A_13 = vector.broadcast %and3A : i32 to vector<128x32xi32>
    %and3A_14 = arith.andi %shift_right_arithmetic3A_12, %and3A_13 : vector<128x32xi32>
    %shift_right_arithmetic3A_15 = arith.constant 1 : i32
    %shift_right_arithmetic3A_16 = vector.broadcast %shift_right_arithmetic3A_15 : i32 to vector<128x32xi32>
    %shift_right_arithmetic3A_17 = arith.shrsi %shift_right_arithmetic3A_12, %shift_right_arithmetic3A_16 : vector<128x32xi32>
    %ne3A = arith.constant 0 : i32
    %ne3A_18 = vector.broadcast %ne3A : i32 to vector<128x32xi32>
    %ne3A_19 = arith.cmpi ne, %shift_right_arithmetic3A_17, %ne3A_18 : vector<128x32xi32>
    %slice3A = vector.extract_strided_slice %get3A_1 {offsets = [0, 0], sizes = [4096, 128], strides = [1, 1]} : vector<4096x256xf32> to vector<4096x128xf32>
    %slice3A_20 = vector.extract_strided_slice %get3A_1 {offsets = [0, 128], sizes = [4096, 128], strides = [1, 1]} : vector<4096x256xf32> to vector<4096x128xf32>
    %mul3A = arith.mulf %slice3A, %get3A_4 : vector<4096x128xf32>
    %mul3A_21 = arith.mulf %slice3A_20, %get3A_7 : vector<4096x128xf32>
    %sub3A = arith.subf %mul3A, %mul3A_21 : vector<4096x128xf32>
    %mul3A_22 = arith.mulf %slice3A, %get3A_7 : vector<4096x128xf32>
    %mul3A_23 = arith.mulf %slice3A_20, %get3A_4 : vector<4096x128xf32>
    %add3A = arith.addf %mul3A_22, %mul3A_23 : vector<4096x128xf32>
    %concatenate3A = tpu.concatenate %sub3A, %add3A in 1 : vector<4096x128xf32>, vector<4096x128xf32> -> vector<4096x256xf32>
    %get3A_24 = arith.constant 0 : index
    %get3A_25 = arith.constant 0 : index
    %get3A_26 = vector.load %arg3[%get3A_24, %get3A_25] : memref<128x256xf32, #tpu.memory_space<vmem>>, vector<128x256xf32>
    %get3A_27 = arith.constant 0 : index
    %get3A_28 = arith.constant 0 : index
    %get3A_29 = vector.load %arg5[%get3A_27, %get3A_28] : memref<128x256xf32, #tpu.memory_space<vmem>>, vector<128x256xf32>
    %dot_general3A = arith.constant dense<0.000000e+00> : vector<128x128xf32>
    %dot_general3A_30 = tpu.matmul %get3A_26, %get3A_29, %dot_general3A {dimension_numbers = #tpu.dot_dimension_numbers<[1], [1], [0], [0], [0, 0, 1, 0], [], []>, transpose_lhs_hint = false} : vector<128x256xf32>, vector<128x256xf32>, vector<128x128xf32> -> vector<128x128xf32>
    %get3A_31 = arith.constant 0 : index
    %get3A_32 = arith.constant 0 : index
    %get3A_33 = vector.load %arg6[%get3A_31, %get3A_32] : memref<128x256xf32, #tpu.memory_space<vmem>>, vector<128x256xf32>
    %dot_general3A_34 = arith.constant dense<0.000000e+00> : vector<4096x128xf32>
    %dot_general3A_35 = tpu.matmul %concatenate3A, %get3A_33, %dot_general3A_34 {dimension_numbers = #tpu.dot_dimension_numbers<[1], [1], [0], [0], [0, 0, 1, 0], [], []>, transpose_lhs_hint = false} : vector<4096x256xf32>, vector<128x256xf32>, vector<4096x128xf32> -> vector<4096x128xf32>
    %reshape3A = vector.shape_cast %dot_general3A_35 : vector<4096x128xf32> to vector<128x32x128xf32>
    %broadcast_in_dim3A = vector.shape_cast %dot_general3A_30 : vector<128x128xf32> to vector<128x1x128xf32>
    %mul3A_36 = vector.broadcast %broadcast_in_dim3A : vector<128x1x128xf32> to vector<128x32x128xf32>
    %mul3A_37 = arith.mulf %mul3A_36, %reshape3A : vector<128x32x128xf32>
    %reduce_sum3A = arith.constant dense<0.000000e+00> : vector<128x32xf32>
    %reduce_sum3A_38 = vector.multi_reduction <add>, %mul3A_37, %reduce_sum3A [2] : vector<128x32x128xf32> to vector<128x32xf32>
    %mul3A_39 = arith.constant 0.0883883461 : f32
    %mul3A_40 = vector.broadcast %mul3A_39 : f32 to vector<128x32xf32>
    %mul3A_41 = arith.mulf %reduce_sum3A_38, %mul3A_40 : vector<128x32xf32>
    %get3A_42 = arith.constant 0 : index
    %get3A_43 = arith.constant 256 : index
    %get3A_44 = vector.load %arg2[%get3A_42, %get3A_43] : memref<4096x384xf32, #tpu.memory_space<vmem>>, vector<4096x128xf32>
    %reshape3A_45 = vector.shape_cast %get3A_44 : vector<4096x128xf32> to vector<128x32x128xf32>
    %reduce_sum3A_46 = arith.constant dense<0.000000e+00> : vector<128x32xf32>
    %reduce_sum3A_47 = vector.multi_reduction <add>, %reshape3A_45, %reduce_sum3A_46 [2] : vector<128x32x128xf32> to vector<128x32xf32>
    %mul3A_48 = arith.constant 7.812500e-03 : f32
    %mul3A_49 = vector.broadcast %mul3A_48 : f32 to vector<128x32xf32>
    %mul3A_50 = arith.mulf %reduce_sum3A_47, %mul3A_49 : vector<128x32xf32>
    %get3A_51 = arith.constant 1 : index
    %get3A_52 = arith.constant 0 : index
    %get3A_53 = vector.load %arg7[%get3A_51, %get3A_52] : memref<8x128xf32, #tpu.memory_space<vmem>>, vector<1x1xf32>
    %get3A_54 = vector.extract %get3A_53[0, 0] : f32 from vector<1x1xf32>
    %get3A_55 = arith.constant 1 : index
    %get3A_56 = arith.constant 1 : index
    %get3A_57 = vector.load %arg7[%get3A_55, %get3A_56] : memref<8x128xf32, #tpu.memory_space<vmem>>, vector<1x1xf32>
    %get3A_58 = vector.extract %get3A_57[0, 0] : f32 from vector<1x1xf32>
    %get3A_59 = arith.constant 1 : index
    %get3A_60 = arith.constant 2 : index
    %get3A_61 = vector.load %arg7[%get3A_59, %get3A_60] : memref<8x128xf32, #tpu.memory_space<vmem>>, vector<1x1xf32>
    %get3A_62 = vector.extract %get3A_61[0, 0] : f32 from vector<1x1xf32>
    %get3A_63 = arith.constant 1 : index
    %get3A_64 = arith.constant 3 : index
    %get3A_65 = vector.load %arg7[%get3A_63, %get3A_64] : memref<8x128xf32, #tpu.memory_space<vmem>>, vector<1x1xf32>
    %get3A_66 = vector.extract %get3A_65[0, 0] : f32 from vector<1x1xf32>
    %convert_element_type3A = arith.sitofp %and3A_14 : vector<128x32xi32> to vector<128x32xf32>
    %add3A_67 = arith.addf %mul3A_41, %mul3A_50 : vector<128x32xf32>
    %add3A_68 = vector.broadcast %get3A_54 : f32 to vector<128x32xf32>
    %add3A_69 = arith.addf %add3A_67, %add3A_68 : vector<128x32xf32>
    %sub3A_70 = arith.subf %get3A_58, %get3A_54 : f32
    %mul3A_71 = vector.broadcast %sub3A_70 : f32 to vector<128x32xf32>
    %mul3A_72 = arith.mulf %convert_element_type3A, %mul3A_71 : vector<128x32xf32>
    %add3A_73 = arith.addf %add3A_69, %mul3A_72 : vector<128x32xf32>
    %jit3A = arith.constant -1.000000e+04 : f32
    %broadcast_in_dim3A_74 = vector.broadcast %jit3A : f32 to vector<128x32xf32>
    %select_n3A = arith.select %ne3A_19, %add3A_73, %broadcast_in_dim3A_74 : vector<128x32xi1>, vector<128x32xf32>
    %reduce_max3A = arith.constant dense<0xFF800000> : vector<128xf32>
    %reduce_max3A_75 = vector.multi_reduction <maximumf>, %select_n3A, %reduce_max3A [1] : vector<128x32xf32> to vector<128xf32>
    %broadcast_in_dim3A_76 = vector.shape_cast %reduce_max3A_75 : vector<128xf32> to vector<128x1xf32>
    %sub3A_77 = vector.broadcast %broadcast_in_dim3A_76 : vector<128x1xf32> to vector<128x32xf32>
    %sub3A_78 = arith.subf %select_n3A, %sub3A_77 : vector<128x32xf32>
    %exp3A = math.exp %sub3A_78 : vector<128x32xf32>
    %reduce_sum3A_79 = arith.constant dense<0.000000e+00> : vector<128xf32>
    %reduce_sum3A_80 = vector.multi_reduction <add>, %exp3A, %reduce_sum3A_79 [1] : vector<128x32xf32> to vector<128xf32>
    %broadcast_in_dim3A_81 = vector.shape_cast %reduce_sum3A_80 : vector<128xf32> to vector<128x1xf32>
    %div3A = vector.broadcast %broadcast_in_dim3A_81 : vector<128x1xf32> to vector<128x32xf32>
    %div3A_82 = arith.divf %exp3A, %div3A : vector<128x32xf32>
    %reshape3A_83 = vector.shape_cast %concatenate3A : vector<4096x256xf32> to vector<128x32x256xf32>
    %broadcast_in_dim3A_84 = vector.shape_cast %div3A_82 : vector<128x32xf32> to vector<128x32x1xf32>
    %mul3A_85 = vector.broadcast %broadcast_in_dim3A_84 : vector<128x32x1xf32> to vector<128x32x256xf32>
    %mul3A_86 = arith.mulf %mul3A_85, %reshape3A_83 : vector<128x32x256xf32>
    %reduce_sum3A_87 = arith.constant dense<0.000000e+00> : vector<128x256xf32>
    %reduce_sum3A_88 = vector.multi_reduction <add>, %mul3A_86, %reduce_sum3A_87 [1] : vector<128x32x256xf32> to vector<128x256xf32>
    %get3A_89 = arith.constant 0 : index
    %get3A_90 = arith.constant 0 : index
    %get3A_91 = vector.load %arg7[%get3A_89, %get3A_90] : memref<8x128xf32, #tpu.memory_space<vmem>>, vector<1x128xf32>
    %concatenate3A_92 = tpu.concatenate %get3A_91, %get3A_91 in 1 : vector<1x128xf32>, vector<1x128xf32> -> vector<1x256xf32>
    %mul3A_93 = vector.broadcast %concatenate3A_92 : vector<1x256xf32> to vector<128x256xf32>
    %mul3A_94 = arith.mulf %reduce_sum3A_88, %mul3A_93 : vector<128x256xf32>
    %get3A_95 = arith.constant 0 : index
    %get3A_96 = arith.constant 96 : index
    %get3A_97 = vector.load %arg4[%get3A_95, %get3A_96] : memref<128x128xi32, #tpu.memory_space<vmem>>, vector<128x1xi32>
    %bitcast_convert_type3A = tpu.bitcast %get3A_97 : vector<128x1xi32> -> vector<128x1xf32>
    %log1p3A = math.log1p %bitcast_convert_type3A : vector<128x1xf32>
    %reduce_or3A = arith.constant 1.000000e+00 : f32
    %reduce_or3A_98 = arith.constant 0.000000e+00 : f32
    %reduce_or3A_99 = vector.broadcast %reduce_or3A : f32 to vector<128x32xf32>
    %reduce_or3A_100 = vector.broadcast %reduce_or3A_98 : f32 to vector<128x32xf32>
    %reduce_or3A_101 = arith.select %ne3A_19, %reduce_or3A_99, %reduce_or3A_100 : vector<128x32xi1>, vector<128x32xf32>
    %reduce_or3A_102 = arith.constant dense<0xFF800000> : vector<128xf32>
    %reduce_or3A_103 = vector.multi_reduction <maximumf>, %reduce_or3A_101, %reduce_or3A_102 [1] : vector<128x32xf32> to vector<128xf32>
    %reduce_or3A_104 = arith.constant 0.000000e+00 : f32
    %reduce_or3A_105 = vector.broadcast %reduce_or3A_104 : f32 to vector<128xf32>
    %reduce_or3A_106 = arith.cmpf ogt, %reduce_or3A_103, %reduce_or3A_105 : vector<128xf32>
    %broadcast_in_dim3A_107 = vector.shape_cast %reduce_or3A_106 : vector<128xi1> to vector<128x1xi1>
    %mul3A_108 = vector.broadcast %get3A_66 : f32 to vector<128x1xf32>
    %mul3A_109 = arith.mulf %mul3A_108, %log1p3A : vector<128x1xf32>
    %sub3A_110 = vector.broadcast %get3A_62 : f32 to vector<128x1xf32>
    %sub3A_111 = arith.subf %sub3A_110, %mul3A_109 : vector<128x1xf32>
    %logistic3A = arith.negf %sub3A_111 : vector<128x1xf32>
    %logistic3A_112 = math.exp %logistic3A : vector<128x1xf32>
    %logistic3A_113 = arith.constant 1.000000e+00 : f32
    %logistic3A_114 = vector.broadcast %logistic3A_113 : f32 to vector<128x1xf32>
    %logistic3A_115 = arith.addf %logistic3A_114, %logistic3A_112 : vector<128x1xf32>
    %logistic3A_116 = arith.divf %logistic3A_114, %logistic3A_115 : vector<128x1xf32>
    %mul3A_117 = arith.constant 5.000000e-01 : f32
    %mul3A_118 = vector.broadcast %mul3A_117 : f32 to vector<128x1xf32>
    %mul3A_119 = arith.mulf %mul3A_118, %logistic3A_116 : vector<128x1xf32>
    %convert_element_type3A_120 = arith.extui %broadcast_in_dim3A_107 : vector<128x1xi1> to vector<128x1xi32>
    %convert_element_type3A_121 = arith.sitofp %convert_element_type3A_120 : vector<128x1xi32> to vector<128x1xf32>
    %mul3A_122 = arith.mulf %mul3A_119, %convert_element_type3A_121 : vector<128x1xf32>
    %sub3A_123 = arith.subf %mul3A_94, %get3A_26 : vector<128x256xf32>
    %mul3A_124 = vector.broadcast %mul3A_122 : vector<128x1xf32> to vector<128x256xf32>
    %mul3A_125 = arith.mulf %mul3A_124, %sub3A_123 : vector<128x256xf32>
    %add3A_126 = arith.addf %get3A_26, %mul3A_125 : vector<128x256xf32>
    %swap3A = arith.constant 0 : index
    %swap3A_127 = arith.constant 0 : index
    %swap3A_128 = vector.load %arg8[%swap3A, %swap3A_127] : memref<128x256xf32, #tpu.memory_space<vmem>>, vector<128x256xf32>
    tpu.vector_store %arg8[%swap3A, %swap3A_127], %add3A_126 {strides = array<i32>} : memref<128x256xf32, #tpu.memory_space<vmem>>, vector<128x256xf32>,
    return
  }
  func.func @transform_0(%arg0: i32) -> (i32, i32) {
    %c0_i32 = arith.constant 0 : i32
    %c0_i32_0 = arith.constant 0 : i32
    return %arg0, %c0_i32 : i32, i32
  }
  func.func @transform_1(%arg0: i32) -> (i32, i32) {
    %c0_i32 = arith.constant 0 : i32
    %c0_i32_0 = arith.constant 0 : i32
    return %arg0, %c0_i32 : i32, i32
  }
  func.func @transform_2(%arg0: i32) -> (i32, i32) {
    %c0_i32 = arith.constant 0 : i32
    %c0_i32_0 = arith.constant 0 : i32
    return %arg0, %c0_i32 : i32, i32
  }
  func.func @transform_3(%arg0: i32) -> (i32, i32) {
    %c0_i32 = arith.constant 0 : i32
    %c0_i32_0 = arith.constant 0 : i32
    return %arg0, %c0_i32 : i32, i32
  }
  func.func @transform_4(%arg0: i32) -> (i32, i32) {
    %c0_i32 = arith.constant 0 : i32
    %c0_i32_0 = arith.constant 0 : i32
    %c0_i32_1 = arith.constant 0 : i32
    return %c0_i32, %c0_i32_0 : i32, i32
  }
  func.func @transform_5(%arg0: i32) -> (i32, i32) {
    %c0_i32 = arith.constant 0 : i32
    %c0_i32_0 = arith.constant 0 : i32
    %c0_i32_1 = arith.constant 0 : i32
    return %c0_i32, %c0_i32_0 : i32, i32
  }
  func.func @transform_6(%arg0: i32) -> (i32, i32) {
    %c0_i32 = arith.constant 0 : i32
    %c0_i32_0 = arith.constant 0 : i32
    %c0_i32_1 = arith.constant 0 : i32
    return %c0_i32, %c0_i32_0 : i32, i32
  }
  func.func @transform_7(%arg0: i32) -> (i32, i32) {
    %c0_i32 = arith.constant 0 : i32
    %c0_i32_0 = arith.constant 0 : i32
    return %arg0, %c0_i32 : i32, i32
  }
}

</mosaic_0001>

<sc_bundles>
// kernel: kernel.11.cloned.1.call-start
scs
__scs_entry_jumppad:
0x0: {  	(pc) =	sbr.rel $0x88, $3  }
0x1: {  	(tag) =	ssettag $0x0;
	lr =	simm.s32 $0x1  }
0x2: {  	[smem:$0x3F91] =	sst lr;
	_ =	strace $0xD0000000  }
0x3: {  	_ = 	snop  }
0x4: {  	_ = 	snop  }
0x5: {  	_ = 	snop  }
0x6: {  	_ = 	snop  }
0x7: {  	_ = 	snop  }
__scs_overlays_trampoline_lowered:
0x8: {  	[smem:$0x3FA0] =	sst s0  }
0x9: {  	[smem:$0x3FA1] =	sst s1  }
0xa: {  	[smem:$0x3FA2] =	sst s2  }
0xb: {  	[smem:$0x3FA3] =	sst s3  }
0xc: {  	[smem:$0x3FA4] =	sst s4  }
0xd: {  	[smem:$0x3FA5] =	sst s5  }
0xe: {  	[smem:$0x3FA6] =	sst s6  }
0xf: {  	[smem:$0x3FA7] =	sst s7  }
0x10: {  	[smem:$0x3FA8] =	sst s8  }
0x11: {  	[smem:$0x3FA9] =	sst s9;
	s0 =	simm.s32 @!p0 $0x0  }
0x12: {  	s1 =	sld [smem:$0x3F8F];
	s0 =	simm.s32 @p0 $0x1  }
0x13: {  	[smem:$0x3FAA] =	sst s0;
	s0 =	simm.s32 @!p1 $0x0  }
0x14: {  	s2 =	sld [smem:$0x3F8E];
	s0 =	simm.s32 @p1 $0x1  }
0x15: {  	[smem:$0x3FAB] =	sst s0;
	s0 =	simm.s32 @!p2 $0x0  }
0x16: {  	s3 =	sld [smem:$0x3FDB];
	s0 =	simm.s32 @p2 $0x1  }
0x17: {  	s4 =	simm.s32 $0x1BF5;
	[smem:$0x3FAD] =	sst s0  }
0x18: {  	s0 =	sld [smem:$0x3F90];
	_ =	swait.ge [sflag:s4], $0x0  }
0x19: {  	s7 =	sld [smem:$0x3F91]  }
0x1a: {  	s8 =	sadd.s32 $0xFFFFE003, lr  }
0x1b: {  	s9 =	sadd.s32 $0xFFFFFEF7, lr;
	s5 =	simm.s32 $0xFFFFFFFF;
	p2 =	slt.u32 s8, $0xFFFFF086  }
0x1c: {  	p1 =	slt.u32 s9, $0xF7A;
	s5 =	simm.s32 @!p2 $0x0  }
0x1d: {  	s5 =	simm.s32 @p1 $0x1;
	p0 =	seq.s32 s7, s2  }
0x1e: {  	s7 =	smul.u32 @!p0 $0xF7A, s2;
	p2 =	seq.s32 @!p0 s5, $0x0  }
0x1f: {  	s9 =	smul.u32 $0xF7A, s1;
	s8 =	simm.s32 @!p0 $0x1BF5;
	p2 =	por !p2, p0  }
0x20: {  	[sflag:s8] =	ssyncset.s32 @!p0 $0xFFFFF086;
	s6 =	sadd.s32 @!p0 s3, s7;
	s7 =	simm.s32 @!p0 $0x108  }
0x21: {  	s3 =	sadd.s32 s3, s9;
	s6 =	sadd.s32 @!p0 $0x88, s6;
	s7 =	simm.s32 @p2 $0x1082  }
0x22: {  	[simem:s7], [sflag:s8] =	dma.local @!p0 [hbm:s6], $0xF7A  }
0x23: {  	s9 =	sor.u32 $0xD0000000, s2;
	s6 =	simm.s32 $0x108;
	_ =	swait.ge @!p0 [sflag:s8], $0x0  }
0x24: {  	s3 =	sadd.s32 $0x88, s3;
	s6 =	simm.s32 @!p1 $0x1082;
	[sflag:s4] =	ssyncset.s32 $0xFFFFF086  }
0x25: {  	[simem:s6], [sflag:s4] =	dma.local [hbm:s3], $0xF7A  }
0x26: {  	[smem:$0x3F91] =	sst s1;
	(tag) =	ssettag s2;
	_ =	strace s9  }
0x27: {  	s1 =	sld [smem:$0x3FA1]  }
0x28: {  	s2 =	sld [smem:$0x3FA2]  }
0x29: {  	s4 =	sld [smem:$0x3FA4]  }
0x2a: {  	p0 =	seq.s32 s5, $0x0;
	s5 =	sld [smem:$0x3FA5]  }
0x2b: {  	s6 =	sld [smem:$0x3FA6]  }
0x2c: {  	s7 =	sld [smem:$0x3FA7]  }
0x2d: {  	s3 =	simm.s32 $0x108;
	s8 =	sld [smem:$0x3FA8]  }
0x2e: {  	s3 =	simm.s32 @!p0 $0x1082;
	s9 =	sld [smem:$0x3FA9]  }
0x2f: {  	lr =	sadd.s32 s0, s3;
	s0 =	sld [smem:$0x3FA0]  }
0x30: {  	s3 =	sld [smem:$0x3FA3]  }
0x31: {  	[smem:$0x3FAC] =	sst s10  }
0x32: {  	s10 =	sld [smem:$0x3FAA];
	_ =	sdelay $0x3  }
0x33: {  	p0 =	seq.s32 s10, $0x1;
	s10 =	sld [smem:$0x3FAC];
	_ =	sdelay $0x3  }
0x34: {  	[smem:$0x3FAC] =	sst s10  }
0x35: {  	s10 =	sld [smem:$0x3FAB];
	_ =	sdelay $0x3  }
0x36: {  	p1 =	seq.s32 s10, $0x1;
	s10 =	sld [smem:$0x3FAC];
	_ =	sdelay $0x3  }
0x37: {  	[smem:$0x3FAC] =	sst s10  }
0x38: {  	s10 =	sld [smem:$0x3FAD]  }
0x39: {  	_ = 	snop;
	(pc) =	sbr.ind lr, $3  }
0x3a: {  	_ = 	snop  }
0x3b: {  	_ = 	snop  }
0x3c: {  	p2 =	seq.s32 s10, $0x1;
	s10 =	sld [smem:$0x3FAC]  }
0x3d: {  	_ =	shalt  }
0x3e: {  	_ =	shalt  }
0x3f: {  	_ =	shalt  }
0x40: {  	_ =	shalt  }
0x41: {  	_ =	shalt  }
0x42: {  	_ =	shalt  }
0x43: {  	_ =	shalt  }
0x44: {  	_ =	shalt  }
0x45: {  	_ =	shalt  }
0x46: {  	_ =	shalt  }
0x47: {  	_ =	shalt  }
0x48: {  	_ =	shalt  }
0x49: {  	_ =	shalt  }
0x4a: {  	_ =	shalt  }
0x4b: {  	_ =	shalt  }
0x4c: {  	_ =	shalt  }
0x4d: {  	_ =	shalt  }
0x4e: {  	_ =	shalt  }
0x4f: {  	_ =	shalt  }
0x50: {  	_ =	shalt  }
0x51: {  	_ =	shalt  }
0x52: {  	_ =	shalt  }
0x53: {  	_ =	shalt  }
0x54: {  	_ =	shalt  }
0x55: {  	_ =	shalt  }
0x56: {  	_ =	shalt  }
0x57: {  	_ =	shalt  }
0x58: {  	_ =	shalt  }
0x59: {  	_ =	shalt  }
0x5a: {  	_ =	shalt  }
0x5b: {  	_ =	shalt  }
0x5c: {  	_ =	shalt  }
0x5d: {  	_ =	shalt  }
0x5e: {  	_ =	shalt  }
0x5f: {  	_ =	shalt  }
0x60: {  	_ =	shalt  }
0x61: {  	_ =	shalt  }
0x62: {  	_ =	shalt  }
0x63: {  	_ =	shalt  }
0x64: {  	_ =	shalt  }
0x65: {  	_ =	shalt  }
0x66: {  	_ =	shalt  }
0x67: {  	_ =	shalt  }
0x68: {  	_ =	shalt  }
0x69: {  	_ =	shalt  }
0x6a: {  	_ =	shalt  }
0x6b: {  	_ =	shalt  }
0x6c: {  	_ =	shalt  }
0x6d: {  	_ =	shalt  }
0x6e: {  	_ =	shalt  }
0x6f: {  	_ =	shalt  }
0x70: {  	_ =	shalt  }
0x71: {  	_ =	shalt  }
0x72: {  	_ =	shalt  }
0x73: {  	_ =	shalt  }
0x74: {  	_ =	shalt  }
0x75: {  	_ =	shalt  }
0x76: {  	_ =	shalt  }
0x77: {  	_ =	shalt  }
0x78: {  	_ =	shalt  }
0x79: {  	_ =	shalt  }
0x7a: {  	_ =	shalt  }
0x7b: {  	_ =	shalt  }
0x7c: {  	_ =	shalt  }
0x7d: {  	_ =	shalt  }
0x7e: {  	_ =	shalt  }
0x7f: {  	_ =	shalt  }
0x80: {  	_ =	shalt  }
0x81: {  	_ =	shalt  }
0x82: {  	_ =	shalt  }
0x83: {  	_ =	shalt  }
0x84: {  	_ =	shalt  }
0x85: {  	_ =	shalt  }
0x86: {  	_ =	shalt  }
0x87: {  	_ =	shalt  }
.Lfunc_end0:
.L_simem_size_0:
called_computation.1_lowered:
.L_overlay_start_0:
0x88: {  	s2 =	sld [smem:$0x3FD9]  }
0x89: {  	s3 =	sld [smem:$0x3FFE];
	_ =	sdelay $0x1  }
0x8a: {  	s1 =	srdreg.scid  }
0x8b: {  	s0 =	sand.u32 $0x1, s1  }
0x8c: {  	s17 =	sshll.u32 s0, $0xA;
	s2 =	sadd.s32 s3, s2  }
0x8d: {  	s2 =	sadd.s32 s2, s17  }
0x8e: {  	[smem:$0x3FB8] =	sst s2  }
0x8f: {  	_ = 	snop  }
0x90: {  	s2 =	sld [smem:$0x3FC8];
	(tm) =	ssettm $0x1  }
0x91: {  	s18 =	sld [smem:$0x3FFB];
	_ =	sdelay $0x3  }
0x92: {  	_ =	strace s18  }
0x93: {  	s3 =	sld [smem:$0x3FFC];
	_ =	sdelay $0x3  }
0x94: {  	_ =	strace s3  }
0x95: {  	s3 =	sld [smem:$0x3FFD];
	_ =	sdelay $0x3  }
0x96: {  	_ =	strace s3  }
0x97: {  	_ =	strace $0x8FFFFFFF  }
0x98: {  	s19 =	sld [smem:$0x3FDB];
	_ =	sdelay $0x1  }
0x99: {  	s4 =	simm.s32 $_scs_section_size  }
0x9a: {  	s5 =	simm.s32 $_size__tile_overlayer_lowered;
	s6 =	simm.s32 $_tile_overlayer_lowered  }
0x9b: {  	s22 =	simm.s32 $0x1BFF;
	s21 =	sshll.u32 s6, $0x1;
	s3 =	sadd.s32 s4, s19  }
0x9c: {  	s7 =	simm.s32 $0x0;
	s20 =	sshll.u32 s5, $0x1;
	s5 =	sadd.s32 s21, s3  }
0x9d: {  	[timem:s7], [sflag:s22] =	dma.local [hbm:s5], s20  }
0x9e: {  	_ =	swait.ge [sflag:s22], s20  }
0x9f: {  	s4 =	ssub.s32 $0x0, s20;
	[sflag:s22] =	ssyncset.done $0x0  }
0xa0: {  	[sflag:s22] =	ssyncadd.s32 s4;
	_ =	sdelay $0x1  }
0xa1: {  	s23 =	simm.s32 $0x1B8B  }
0xa2: {  	_ =	swait.ge [sflag:s23], $0x1  }
0xa3: {  	[sflag:s23] =	ssyncset.done $0x0  }
0xa4: {  	s25 =	simm.s32 $0x1B8E;
	s24 =	sld [smem:$0x3FFE];
	[sflag:s23] =	ssyncadd.s32 $0xFFFFFFFF  }
0xa5: {  	s26 =	simm.s32 $execute0_lowered;
	[smem:$0x3FD2] =	sst s25  }
0xa6: {  	s5 =	sshll.u32 s26, $0x1;
	_ =	strace $0x80000049;
	[dreg:$0x1] =	wrdreg $0xFFFFFFFF  }
0xa7: {  	s28 =	simm.s32 $_size_execute0_lowered;
	s3 =	sadd.s32 s3, s5;
	[dreg:$0x0] =	wrdreg $0x0  }
0xa8: {  	s5 =	sshll.u32 s28, $0x1;
	[dreg:$0x2] =	wrdreg s3  }
0xa9: {  	[dreg:$0x3] =	wrdreg s5  }
0xaa: {  	[dreg:$0x4] =	wrdreg $0xC0  }
0xab: {  	_ =	task [dreg:s7], $0x5FFFF  }
0xac: {  	[dreg:$0x1] =	wrdreg $0xFFFFFFFF  }
0xad: {  	[dreg:$0x0] =	wrdreg $0x60  }
0xae: {  	[dreg:$0x2] =	wrdreg s24  }
0xaf: {  	[dreg:$0x3] =	wrdreg s2  }
0xb0: {  	[dreg:$0x4] =	wrdreg $0x9  }
0xb1: {  	_ =	task.clear_ibuf [dreg:s7], $0x5FFFF;
	_ =	strace $0x90000049  }
0xb2: {  	s29 =	simm.s32 $0x9;
	_ =	strace $0x8000004B  }
0xb3: {  	_ =	swait.ge [sflag:s29], $0x1  }
0xb4: {  	[sflag:s29] =	ssyncadd.s32 $0xFFFFFFFF  }
0xb5: {  	_ =	strace $0x9000004B  }
0xb6: {  	_ =	sfence  }
0xb7: {  	s30 =	sld [smem:$0x0];
	_ =	sdelay $0x2  }
0xb8: {  	s31 =	sshll.u32 s1, $0xD;
	s1 =	sshrl.u32 s1, $0x2  }
0xb9: {  	s3 =	sand.u32 $0x4000, s31;
	s1 =	sadd.s32 s1, s30  }
0xba: {  	s0 =	sor.u32 s3, s0;
	s1 =	sshll.u32 s1, $0x11  }
0xbb: {  	s0 =	sor.u32 s1, s0  }
0xbc: {  	s0 =	sadd.s32 $0x8F2B, s0  }
0xbd: {  	[sflag:s0] =	ssyncadd.remote.s32 $0x1  }
0xbe: {  	_ =	sfence.sel $0xFFFF  }
0xbf: {  	[dreg:$0x0] =	wrdreg $0xFFFFFFFF;
	(pc) =	sbr.abs _section_cstart, $3  }
0xc0: {  	[dreg:$0x1] =	wrdreg $0xFFFFFFFF  }
0xc1: {  	_ =	task.clear_ibuf [dreg:s7], $0x2FFFF;
	_ =	strace $0x9FFFFFFF  }
0xc2: {  	(tm) =	ssettm $0x7FFFFFFF  }
0xc3: {  	_ =	shalt  }
tec
execute0_lowered:
.L_overlay_start_1:
0x0: {  	(tag) =	ssettag $0x1  }
0x1: {  	s1 =	srdreg.scid  }
0x2: {  	s0 =	stileid.u32;
	s1 =	sand.u32 $0x1, s1  }
0x3: {  	s5 =	rddreg [dreg:$0x0];
	s3 =	sshll.u32 s0, $0xD;
	s4 =	sshll.u32 s1, $0xC  }
0x4: {  	s2 =	rddreg [dreg:$0x1];
	s4 =	sor.u32 s4, s3;
	s3 =	simm.s32 $0x0  }
0x5: {  	s17 =	simm.s32 $0x80;
	[smem:$0x7FF] =	sst s3  }
0x6: {  	s18 =	simm.s32 $0x900;
	_ =	strace $0x8000004A;
	[dreg:$0x5] =	wrdreg s17  }
0x7: {  	s19 =	simm.s32 $0x1100;
	[dreg:$0x6] =	wrdreg s18  }
0x8: {  	s20 =	simm.s32 $0x1900;
	[dreg:$0x7] =	wrdreg s19  }
0x9: {  	s21 =	simm.s32 $0x2100;
	[dreg:$0x8] =	wrdreg s20  }
0xa: {  	s22 =	simm.s32 $0x2900;
	[dreg:$0x9] =	wrdreg s21  }
0xb: {  	s23 =	simm.s32 $0x3100;
	[dreg:$0xa] =	wrdreg s22  }
0xc: {  	s24 =	simm.s32 $0x3900;
	[dreg:$0xb] =	wrdreg s23  }
0xd: {  	s25 =	simm.s32 $0x4100;
	[dreg:$0xc] =	wrdreg s24  }
0xe: {  	s26 =	simm.s32 $0x4900;
	[dreg:$0xd] =	wrdreg s25  }
0xf: {  	s30 =	simm.s32 $0x5100;
	[dreg:$0xe] =	wrdreg s26  }
0x10: {  	s31 =	simm.s32 $0x5900;
	[dreg:$0xf] =	wrdreg s30  }
0x11: {  	s8 =	simm.s32 $0x6900;
	[dreg:$0x10] =	wrdreg s31  }
0x12: {  	s9 =	simm.s32 $0x7100;
	[dreg:$0x12] =	wrdreg s8  }
0x13: {  	s10 =	simm.s32 $0x7900;
	s11 =	simm.s32 $0x8900;
	[dreg:$0x13] =	wrdreg s9  }
0x14: {  	s12 =	simm.s32 $0x8D00;
	s13 =	simm.s32 $0x9500;
	[dreg:$0x14] =	wrdreg s10  }
0x15: {  	s14 =	simm.s32 $0x9900;
	s16 =	simm.s32 $0xA100;
	[dreg:$0x15] =	wrdreg s11  }
0x16: {  	s28 =	simm.s32 $0x1;
	s29 =	simm.s32 $0x0;
	[dreg:$0x16] =	wrdreg s12  }
0x17: {  	s15 =	ssub.s32 $0x2, s1;
	s6 =	sshrl.u32 s4, $0x3;
	[dreg:$0x17] =	wrdreg s13  }
0x18: {  	s1 =	sshll.u32 s1, $0x11;
	s4 =	sadd.s32 s6, s5;
	[dreg:$0x18] =	wrdreg s14  }
0x19: {  	s8 =	sshll.u32 s0, $0x12;
	[dreg:$0x19] =	wrdreg s16;
	s17 =	simm.s32 $0xA500  }
0x1a: {  	s6 =	smul.u32 $0x180, s6;
	s18 =	simm.s32 $0xAD00;
	[dreg:$0x1a] =	wrdreg s17  }
0x1b: {  	s10 =	sshrl.u32 s15, $0x1;
	s19 =	simm.s32 $0xB100;
	[dreg:$0x1b] =	wrdreg s18  }
0x1c: {  	s21 =	simm.s32 $0xB900;
	s22 =	simm.s32 $0xBD00;
	[dreg:$0x1c] =	wrdreg s19  }
0x1d: {  	s23 =	simm.s32 $0xC500;
	s24 =	simm.s32 $0xC900;
	[dreg:$0x1d] =	wrdreg s21  }
0x1e: {  	s25 =	simm.s32 $0xD100;
	s26 =	simm.s32 $0xD500;
	[dreg:$0x1e] =	wrdreg s22  }
0x1f: {  	s30 =	simm.s32 $0xDD00;
	s11 =	simm.s32 $0x8100;
	[dreg:$0x1f] =	wrdreg s23  }
0x20: {  	s31 =	simm.s32 $0xE100;
	s12 =	simm.s32 $0xE900;
	[smem:$0x7F9] =	sst s24  }
0x21: {  	s13 =	simm.s32 $0xED00;
	s14 =	simm.s32 $0xF500;
	[smem:$0x7FA] =	sst s25  }
0x22: {  	s16 =	simm.s32 $0x10100;
	s7 =	sadd.s32 $0x30800, s4;
	[smem:$0x7FB] =	sst s26  }
0x23: {  	s4 =	sadd.s32 $0x34800, s4;
	s8 =	sadd.s32 s8, s5;
	[smem:$0x7FC] =	sst s30  }
0x24: {  	[smem:$0x7FD] =	sst s31;
	s17 =	simm.s32 $0x10500;
	s18 =	simm.s32 $0x10D00  }
0x25: {  	s19 =	simm.s32 $0x11100;
	s21 =	simm.s32 $0x11D00;
	s22 =	simm.s32 $0x12500  }
0x26: {  	s23 =	simm.s32 $0x12900;
	s24 =	simm.s32 $0x13100;
	[dreg:$0x3] =	wrdreg s7  }
0x27: {  	s25 =	simm.s32 $0x13500;
	s26 =	simm.s32 $0x13D00;
	[dreg:$0x4] =	wrdreg s4  }
0x28: {  	s7 =	simm.s32 $0x6100;
	s4 =	sadd.s32 $0x24C00, s5;
	s9 =	sadd.s32 s6, s5  }
0x29: {  	s5 =	sadd.s32 $0x24D00, s5;
	s1 =	sadd.s32 s1, s8;
	[dreg:$0x11] =	wrdreg s7  }
0x2a: {  	v2 =	vlaneseq.u32;
	s7 =	ssub.s32 s15, s10;
	s8 =	sadd.s32 $0x438800, s9;
	s9 =	simm.s32 $0x2  }
0x2b: {  	vm0 =	vmmov $0xffff;
	vm1 =	vmmov $0xff;
	v1 =	vshrl.u32 v2, $0x3;
	s10 =	simm.s32 $0x100;
	s15 =	simm.s32 $0xF900;
	s20 =	smax.u32 s7, $0x1  }
0x2c: {  	v0 =	vand.u32 $0x7, v2;
	v2 =	vor.u32 $0x8, v2;
	v1 =	vmul.u32 $0x8, v1;
	s7 =	sadd.s32 $0x38800, s1;
	[smem:$0x7F8] =	sst s20;
	s20 =	simm.s32 $0x11900  }
.LBB2_1:
0x2d: {  	s30 =	smov.u32 s8;
	s31 =	smov.u32 s7;
	s1 =	simm.s32 $0x0  }
.LBB2_2:
0x2e: {  	s0 =	rddreg [dreg:$0x4]  }
0x2f: {  	s0 =	sadd.s32 s1, s0  }
0x30: {  	[tilespmem:s3], [sflag:$0x2] =	stream.linear.gather [hbm4b:s0+s3], $0x80, $0x38;
	[tilespmem:$0x14100] =	vst v63  }
0x31: {  	_ =	swait.ge [sflag:s9], $0x80  }
0x32: {  	s0 =	rddreg [dreg:$0x3];
	[sflag:s9] =	ssyncset.done $0x0  }
0x33: {  	s6 =	rddreg [dreg:$0x5];
	[sflag:s9] =	ssyncadd.s32 $0xFFFFFF80;
	s0 =	sadd.s32 s1, s0  }
0x34: {  	[tilespmem:s6], [sflag:$0x2] =	stream.linear.gather [hbm4b:s0+s3], $0x80, $0x38;
	[tilespmem:$0x14100] =	vst v63  }
0x35: {  	_ =	swait.ge [sflag:s9], $0x80  }
0x36: {  	[sflag:s9] =	ssyncset.done $0x0  }
0x37: {  	[sflag:s9] =	ssyncadd.s32 $0xFFFFFF80  }
0x38: {  	v3 =	vld [tilespmem:$0x0];
	_ =	sdelay $0x4  }
0x39: {  	v4 =	vshll.u32 v3, $0x1  }
0x3a: {  	v3 =	vand.u32 $0x7, v3;
	v4 =	vand.u32 $0xFFFFFFF0, v4  }
0x3b: {  	v3 =	vor.u32 v3, v4  }
0x3c: {  	v4 =	vperm.xlane v3, v0;
	_ =	sdelay $0x1  }
0x3d: {  	v3 =	vperm.xlane v3, v2;
	v4 =	vadd.s32 v1, v4;
	_ =	sdelay $0x1  }
0x3e: {  	v3 =	vadd.s32 v1, v3;
	_ =	sdelay $0x2  }
0x3f: {  	[tilespmem:s10], [sflag:$0x1] =	stream.indirect_vreg.gather [hbm4b:s2+s3], $0x80, v4, vm0, $0xb8;
	[tilespmem:$0x14100] =	vst v63  }
0x40: {  	s6 =	rddreg [dreg:$0x6]  }
0x41: {  	[tilespmem:s6], [sflag:$0x1] =	stream.indirect_vreg.gather [hbm4b:s2+s3], $0x80, v3, vm0, $0xb8;
	[tilespmem:$0x14100] =	vst v63  }
0x42: {  	v3 =	vld [tilespmem:$0x10];
	_ =	sdelay $0x4  }
0x43: {  	v49 =	vshll.u32 v3, $0x1  }
0x44: {  	v3 =	vand.u32 $0x7, v3;
	v4 =	vand.u32 $0xFFFFFFF0, v49  }
0x45: {  	v3 =	vor.u32 v3, v4  }
0x46: {  	v4 =	vperm.xlane v3, v0;
	_ =	sdelay $0x1  }
0x47: {  	v3 =	vperm.xlane v3, v2;
	v4 =	vadd.s32 v1, v4;
	_ =	sdelay $0x1  }
0x48: {  	v3 =	vadd.s32 v1, v3;
	_ =	sdelay $0x1  }
0x49: {  	s0 =	rddreg [dreg:$0x7]  }
0x4a: {  	[tilespmem:s0], [sflag:$0x1] =	stream.indirect_vreg.gather [hbm4b:s2+s3], $0x80, v4, vm0, $0xb8;
	[tilespmem:$0x14100] =	vst v63  }
0x4b: {  	s6 =	rddreg [dreg:$0x8]  }
0x4c: {  	[tilespmem:s6], [sflag:$0x1] =	stream.indirect_vreg.gather [hbm4b:s2+s3], $0x80, v3, vm0, $0xb8;
	[tilespmem:$0x14100] =	vst v63  }
0x4d: {  	v3 =	vld [tilespmem:$0x20];
	_ =	sdelay $0x4  }
0x4e: {  	v50 =	vshll.u32 v3, $0x1  }
0x4f: {  	v3 =	vand.u32 $0x7, v3;
	v4 =	vand.u32 $0xFFFFFFF0, v50  }
0x50: {  	v3 =	vor.u32 v3, v4  }
0x51: {  	v4 =	vperm.xlane v3, v0;
	_ =	sdelay $0x1  }
0x52: {  	v3 =	vperm.xlane v3, v2;
	v4 =	vadd.s32 v1, v4;
	_ =	sdelay $0x1  }
0x53: {  	v3 =	vadd.s32 v1, v3;
	_ =	sdelay $0x1  }
0x54: {  	s0 =	rddreg [dreg:$0x9]  }
0x55: {  	[tilespmem:s0], [sflag:$0x1] =	stream.indirect_vreg.gather [hbm4b:s2+s3], $0x80, v4, vm0, $0xb8;
	[tilespmem:$0x14100] =	vst v63  }
0x56: {  	s6 =	rddreg [dreg:$0xa]  }
0x57: {  	[tilespmem:s6], [sflag:$0x1] =	stream.indirect_vreg.gather [hbm4b:s2+s3], $0x80, v3, vm0, $0xb8;
	[tilespmem:$0x14100] =	vst v63  }
0x58: {  	v3 =	vld [tilespmem:$0x30];
	_ =	sdelay $0x4  }
0x59: {  	v51 =	vshll.u32 v3, $0x1  }
0x5a: {  	v3 =	vand.u32 $0x7, v3;
	v4 =	vand.u32 $0xFFFFFFF0, v51  }
0x5b: {  	v3 =	vor.u32 v3, v4  }
0x5c: {  	v4 =	vperm.xlane v3, v0;
	_ =	sdelay $0x1  }
0x5d: {  	v3 =	vperm.xlane v3, v2;
	v4 =	vadd.s32 v1, v4;
	_ =	sdelay $0x1  }
0x5e: {  	v3 =	vadd.s32 v1, v3;
	_ =	sdelay $0x1  }
0x5f: {  	s0 =	rddreg [dreg:$0xb]  }
0x60: {  	[tilespmem:s0], [sflag:$0x1] =	stream.indirect_vreg.gather [hbm4b:s2+s3], $0x80, v4, vm0, $0xb8;
	[tilespmem:$0x14100] =	vst v63  }
0x61: {  	s6 =	rddreg [dreg:$0xc]  }
0x62: {  	[tilespmem:s6], [sflag:$0x1] =	stream.indirect_vreg.gather [hbm4b:s2+s3], $0x80, v3, vm0, $0xb8;
	[tilespmem:$0x14100] =	vst v63  }
0x63: {  	v3 =	vld [tilespmem:$0x40];
	_ =	sdelay $0x4  }
0x64: {  	v52 =	vshll.u32 v3, $0x1  }
0x65: {  	v3 =	vand.u32 $0x7, v3;
	v4 =	vand.u32 $0xFFFFFFF0, v52  }
0x66: {  	v3 =	vor.u32 v3, v4  }
0x67: {  	v4 =	vperm.xlane v3, v0;
	_ =	sdelay $0x1  }
0x68: {  	v3 =	vperm.xlane v3, v2;
	v4 =	vadd.s32 v1, v4;
	_ =	sdelay $0x1  }
0x69: {  	v3 =	vadd.s32 v1, v3;
	_ =	sdelay $0x1  }
0x6a: {  	s0 =	rddreg [dreg:$0xd]  }
0x6b: {  	[tilespmem:s0], [sflag:$0x1] =	stream.indirect_vreg.gather [hbm4b:s2+s3], $0x80, v4, vm0, $0xb8;
	[tilespmem:$0x14100] =	vst v63  }
0x6c: {  	s6 =	rddreg [dreg:$0xe]  }
0x6d: {  	[tilespmem:s6], [sflag:$0x1] =	stream.indirect_vreg.gather [hbm4b:s2+s3], $0x80, v3, vm0, $0xb8;
	[tilespmem:$0x14100] =	vst v63  }
0x6e: {  	v3 =	vld [tilespmem:$0x50];
	_ =	sdelay $0x4  }
0x6f: {  	v53 =	vshll.u32 v3, $0x1  }
0x70: {  	v3 =	vand.u32 $0x7, v3;
	v4 =	vand.u32 $0xFFFFFFF0, v53  }
0x71: {  	v3 =	vor.u32 v3, v4  }
0x72: {  	v4 =	vperm.xlane v3, v0;
	_ =	sdelay $0x1  }
0x73: {  	v3 =	vperm.xlane v3, v2;
	v4 =	vadd.s32 v1, v4;
	_ =	sdelay $0x1  }
0x74: {  	v3 =	vadd.s32 v1, v3;
	_ =	sdelay $0x1  }
0x75: {  	s0 =	rddreg [dreg:$0xf]  }
0x76: {  	[tilespmem:s0], [sflag:$0x1] =	stream.indirect_vreg.gather [hbm4b:s2+s3], $0x80, v4, vm0, $0xb8;
	[tilespmem:$0x14100] =	vst v63  }
0x77: {  	s6 =	rddreg [dreg:$0x10]  }
0x78: {  	[tilespmem:s6], [sflag:$0x1] =	stream.indirect_vreg.gather [hbm4b:s2+s3], $0x80, v3, vm0, $0xb8;
	[tilespmem:$0x14100] =	vst v63  }
0x79: {  	v3 =	vld [tilespmem:$0x60];
	_ =	sdelay $0x4  }
0x7a: {  	v54 =	vshll.u32 v3, $0x1  }
0x7b: {  	v3 =	vand.u32 $0x7, v3;
	v4 =	vand.u32 $0xFFFFFFF0, v54  }
0x7c: {  	v3 =	vor.u32 v3, v4  }
0x7d: {  	v4 =	vperm.xlane v3, v0;
	_ =	sdelay $0x1  }
0x7e: {  	v3 =	vperm.xlane v3, v2;
	v4 =	vadd.s32 v1, v4;
	_ =	sdelay $0x1  }
0x7f: {  	v3 =	vadd.s32 v1, v3;
	_ =	sdelay $0x1  }
0x80: {  	s0 =	rddreg [dreg:$0x11]  }
0x81: {  	[tilespmem:s0], [sflag:$0x1] =	stream.indirect_vreg.gather [hbm4b:s2+s3], $0x80, v4, vm0, $0xb8;
	[tilespmem:$0x14100] =	vst v63  }
0x82: {  	s6 =	rddreg [dreg:$0x12]  }
0x83: {  	[tilespmem:s6], [sflag:$0x1] =	stream.indirect_vreg.gather [hbm4b:s2+s3], $0x80, v3, vm0, $0xb8;
	[tilespmem:$0x14100] =	vst v63  }
0x84: {  	v3 =	vld [tilespmem:$0x70];
	_ =	sdelay $0x4  }
0x85: {  	v55 =	vshll.u32 v3, $0x1  }
0x86: {  	v3 =	vand.u32 $0x7, v3;
	v4 =	vand.u32 $0xFFFFFFF0, v55  }
0x87: {  	v3 =	vor.u32 v3, v4  }
0x88: {  	v4 =	vperm.xlane v3, v0;
	_ =	sdelay $0x1  }
0x89: {  	v3 =	vperm.xlane v3, v2;
	v4 =	vadd.s32 v1, v4;
	_ =	sdelay $0x1  }
0x8a: {  	v3 =	vadd.s32 v1, v3;
	_ =	sdelay $0x1  }
0x8b: {  	s0 =	rddreg [dreg:$0x13]  }
0x8c: {  	[tilespmem:s0], [sflag:$0x1] =	stream.indirect_vreg.gather [hbm4b:s2+s3], $0x80, v4, vm0, $0xb8;
	[tilespmem:$0x14100] =	vst v63  }
0x8d: {  	s6 =	rddreg [dreg:$0x14]  }
0x8e: {  	[tilespmem:s6], [sflag:$0x1] =	stream.indirect_vreg.gather [hbm4b:s2+s3], $0x80, v3, vm0, $0xb8;
	[tilespmem:$0x14100] =	vst v63  }
0x8f: {  	v3 =	vld [tilespmem:$0x80];
	_ =	sdelay $0x4  }
0x90: {  	v56 =	vshrl.u32 v3, $0x3  }
0x91: {  	v4 =	vmul.u32 $0x18, v56  }
0x92: {  	v3 =	vand.u32 $0x7, v3  }
0x93: {  	v3 =	vor.u32 v3, v4  }
0x94: {  	v4 =	vperm.xlane v3, v0;
	_ =	sdelay $0x1  }
0x95: {  	v4 =	vadd.s32 v1, v4;
	_ =	sdelay $0x1  }
0x96: {  	v3 =	vperm.xlane v3, v2;
	_ =	sdelay $0x1  }
0x97: {  	v3 =	vadd.s32 v1, v3  }
0x98: {  	[tilespmem:s11], [sflag:$0x1] =	stream.indirect_vreg.gather [hbm4b:s4+s3], $0x80, v4, vm0, $0xb8;
	[tilespmem:$0x14100] =	vst v63  }
0x99: {  	s0 =	rddreg [dreg:$0x15]  }
0x9a: {  	[tilespmem:s0], [sflag:$0x1] =	stream.indirect_vreg.gather [hbm4b:s5+s3], $0x80, v4, vm1, $0xb8;
	[tilespmem:$0x14100] =	vst v63  }
0x9b: {  	s6 =	rddreg [dreg:$0x16]  }
0x9c: {  	[tilespmem:s6], [sflag:$0x1] =	stream.indirect_vreg.gather [hbm4b:s4+s3], $0x80, v3, vm0, $0xb8;
	[tilespmem:$0x14100] =	vst v63  }
0x9d: {  	s0 =	rddreg [dreg:$0x17]  }
0x9e: {  	[tilespmem:s0], [sflag:$0x1] =	stream.indirect_vreg.gather [hbm4b:s5+s3], $0x80, v3, vm1, $0xb8;
	[tilespmem:$0x14100] =	vst v63  }
0x9f: {  	v3 =	vld [tilespmem:$0x90];
	_ =	sdelay $0x4  }
0xa0: {  	v57 =	vshrl.u32 v3, $0x3  }
0xa1: {  	v4 =	vmul.u32 $0x18, v57  }
0xa2: {  	v3 =	vand.u32 $0x7, v3  }
0xa3: {  	v3 =	vor.u32 v3, v4  }
0xa4: {  	v4 =	vperm.xlane v3, v0;
	_ =	sdelay $0x1  }
0xa5: {  	v4 =	vadd.s32 v1, v4;
	_ =	sdelay $0x1  }
0xa6: {  	v3 =	vperm.xlane v3, v2;
	_ =	sdelay $0x1  }
0xa7: {  	s0 =	rddreg [dreg:$0x18];
	v3 =	vadd.s32 v1, v3  }
0xa8: {  	[tilespmem:s0], [sflag:$0x1] =	stream.indirect_vreg.gather [hbm4b:s4+s3], $0x80, v4, vm0, $0xb8;
	[tilespmem:$0x14100] =	vst v63  }
0xa9: {  	s6 =	rddreg [dreg:$0x19]  }
0xaa: {  	[tilespmem:s6], [sflag:$0x1] =	stream.indirect_vreg.gather [hbm4b:s5+s3], $0x80, v4, vm1, $0xb8;
	[tilespmem:$0x14100] =	vst v63  }
0xab: {  	s0 =	rddreg [dreg:$0x1a]  }
0xac: {  	[tilespmem:s0], [sflag:$0x1] =	stream.indirect_vreg.gather [hbm4b:s4+s3], $0x80, v3, vm0, $0xb8;
	[tilespmem:$0x14100] =	vst v63  }
0xad: {  	s6 =	rddreg [dreg:$0x1b]  }
0xae: {  	[tilespmem:s6], [sflag:$0x1] =	stream.indirect_vreg.gather [hbm4b:s5+s3], $0x80, v3, vm1, $0xb8;
	[tilespmem:$0x14100] =	vst v63  }
0xaf: {  	v3 =	vld [tilespmem:$0xA0];
	_ =	sdelay $0x4  }
0xb0: {  	v58 =	vshrl.u32 v3, $0x3  }
0xb1: {  	v4 =	vmul.u32 $0x18, v58  }
0xb2: {  	v3 =	vand.u32 $0x7, v3  }
0xb3: {  	v3 =	vor.u32 v3, v4  }
0xb4: {  	v4 =	vperm.xlane v3, v0;
	_ =	sdelay $0x1  }
0xb5: {  	v4 =	vadd.s32 v1, v4;
	_ =	sdelay $0x1  }
0xb6: {  	v3 =	vperm.xlane v3, v2;
	_ =	sdelay $0x1  }
0xb7: {  	s0 =	rddreg [dreg:$0x1c];
	v3 =	vadd.s32 v1, v3  }
0xb8: {  	[tilespmem:s0], [sflag:$0x1] =	stream.indirect_vreg.gather [hbm4b:s4+s3], $0x80, v4, vm0, $0xb8;
	[tilespmem:$0x14100] =	vst v63  }
0xb9: {  	s6 =	rddreg [dreg:$0x1d]  }
0xba: {  	[tilespmem:s6], [sflag:$0x1] =	stream.indirect_vreg.gather [hbm4b:s5+s3], $0x80, v4, vm1, $0xb8;
	[tilespmem:$0x14100] =	vst v63  }
0xbb: {  	s0 =	rddreg [dreg:$0x1e]  }
0xbc: {  	[tilespmem:s0], [sflag:$0x1] =	stream.indirect_vreg.gather [hbm4b:s4+s3], $0x80, v3, vm0, $0xb8;
	[tilespmem:$0x14100] =	vst v63  }
0xbd: {  	s6 =	rddreg [dreg:$0x1f]  }
0xbe: {  	[tilespmem:s6], [sflag:$0x1] =	stream.indirect_vreg.gather [hbm4b:s5+s3], $0x80, v3, vm1, $0xb8;
	[tilespmem:$0x14100] =	vst v63  }
0xbf: {  	v3 =	vld [tilespmem:$0xB0];
	_ =	sdelay $0x4  }
0xc0: {  	v59 =	vshrl.u32 v3, $0x3  }
0xc1: {  	v4 =	vmul.u32 $0x18, v59  }
0xc2: {  	v3 =	vand.u32 $0x7, v3  }
0xc3: {  	v3 =	vor.u32 v3, v4  }
0xc4: {  	v4 =	vperm.xlane v3, v0;
	_ =	sdelay $0x1  }
0xc5: {  	v4 =	vadd.s32 v1, v4;
	_ =	sdelay $0x1  }
0xc6: {  	s0 =	sld [smem:$0x7F9];
	v3 =	vperm.xlane v3, v2;
	_ =	sdelay $0x1  }
0xc7: {  	s6 =	sld [smem:$0x7FA];
	v3 =	vadd.s32 v1, v3  }
0xc8: {  	[tilespmem:s0], [sflag:$0x1] =	stream.indirect_vreg.gather [hbm4b:s4+s3], $0x80, v4, vm0, $0xb8;
	[tilespmem:$0x14100] =	vst v63  }
0xc9: {  	s0 =	sld [smem:$0x7FB]  }
0xca: {  	[tilespmem:s6], [sflag:$0x1] =	stream.indirect_vreg.gather [hbm4b:s5+s3], $0x80, v4, vm1, $0xb8;
	[tilespmem:$0x14100] =	vst v63  }
0xcb: {  	s6 =	sld [smem:$0x7FC]  }
0xcc: {  	[tilespmem:s0], [sflag:$0x1] =	stream.indirect_vreg.gather [hbm4b:s4+s3], $0x80, v3, vm0, $0xb8;
	[tilespmem:$0x14100] =	vst v63  }
0xcd: {  	_ = 	snop  }
0xce: {  	[tilespmem:s6], [sflag:$0x1] =	stream.indirect_vreg.gather [hbm4b:s5+s3], $0x80, v3, vm1, $0xb8;
	[tilespmem:$0x14100] =	vst v63  }
0xcf: {  	v3 =	vld [tilespmem:$0xC0];
	_ =	sdelay $0x4  }
0xd0: {  	v60 =	vshrl.u32 v3, $0x3  }
0xd1: {  	v4 =	vmul.u32 $0x18, v60  }
0xd2: {  	v3 =	vand.u32 $0x7, v3  }
0xd3: {  	v3 =	vor.u32 v3, v4  }
0xd4: {  	v4 =	vperm.xlane v3, v0;
	_ =	sdelay $0x1  }
0xd5: {  	v4 =	vadd.s32 v1, v4;
	_ =	sdelay $0x1  }
0xd6: {  	s6 =	sld [smem:$0x7FD];
	v3 =	vperm.xlane v3, v2;
	_ =	sdelay $0x1  }
0xd7: {  	v3 =	vadd.s32 v1, v3  }
0xd8: {  	[tilespmem:s6], [sflag:$0x1] =	stream.indirect_vreg.gather [hbm4b:s4+s3], $0x80, v4, vm0, $0xb8;
	[tilespmem:$0x14100] =	vst v63  }
0xd9: {  	_ = 	snop  }
0xda: {  	[tilespmem:s12], [sflag:$0x1] =	stream.indirect_vreg.gather [hbm4b:s5+s3], $0x80, v4, vm1, $0xb8;
	[tilespmem:$0x14100] =	vst v63  }
0xdb: {  	_ = 	snop  }
0xdc: {  	[tilespmem:s13], [sflag:$0x1] =	stream.indirect_vreg.gather [hbm4b:s4+s3], $0x80, v3, vm0, $0xb8;
	[tilespmem:$0x14100] =	vst v63  }
0xdd: {  	_ = 	snop  }
0xde: {  	[tilespmem:s14], [sflag:$0x1] =	stream.indirect_vreg.gather [hbm4b:s5+s3], $0x80, v3, vm1, $0xb8;
	[tilespmem:$0x14100] =	vst v63  }
0xdf: {  	v3 =	vld [tilespmem:$0xD0];
	_ =	sdelay $0x4  }
0xe0: {  	v61 =	vshrl.u32 v3, $0x3  }
0xe1: {  	v4 =	vmul.u32 $0x18, v61  }
0xe2: {  	v3 =	vand.u32 $0x7, v3  }
0xe3: {  	v3 =	vor.u32 v3, v4  }
0xe4: {  	v4 =	vperm.xlane v3, v0;
	_ =	sdelay $0x1  }
0xe5: {  	v4 =	vadd.s32 v1, v4;
	_ =	sdelay $0x1  }
0xe6: {  	v3 =	vperm.xlane v3, v2;
	_ =	sdelay $0x1  }
0xe7: {  	v3 =	vadd.s32 v1, v3  }
0xe8: {  	[tilespmem:s15], [sflag:$0x1] =	stream.indirect_vreg.gather [hbm4b:s4+s3], $0x80, v4, vm0, $0xb8;
	[tilespmem:$0x14100] =	vst v63  }
0xe9: {  	_ = 	snop  }
0xea: {  	[tilespmem:s16], [sflag:$0x1] =	stream.indirect_vreg.gather [hbm4b:s5+s3], $0x80, v4, vm1, $0xb8;
	[tilespmem:$0x14100] =	vst v63  }
0xeb: {  	_ = 	snop  }
0xec: {  	[tilespmem:s17], [sflag:$0x1] =	stream.indirect_vreg.gather [hbm4b:s4+s3], $0x80, v3, vm0, $0xb8;
	[tilespmem:$0x14100] =	vst v63  }
0xed: {  	_ = 	snop  }
0xee: {  	[tilespmem:s18], [sflag:$0x1] =	stream.indirect_vreg.gather [hbm4b:s5+s3], $0x80, v3, vm1, $0xb8;
	[tilespmem:$0x14100] =	vst v63  }
0xef: {  	v3 =	vld [tilespmem:$0xE0];
	_ =	sdelay $0x4  }
0xf0: {  	v62 =	vshrl.u32 v3, $0x3  }
0xf1: {  	v4 =	vmul.u32 $0x18, v62  }
0xf2: {  	v3 =	vand.u32 $0x7, v3  }
0xf3: {  	v3 =	vor.u32 v3, v4  }
0xf4: {  	v4 =	vperm.xlane v3, v0;
	_ =	sdelay $0x1  }
0xf5: {  	v4 =	vadd.s32 v1, v4;
	_ =	sdelay $0x1  }
0xf6: {  	v3 =	vperm.xlane v3, v2;
	_ =	sdelay $0x1  }
0xf7: {  	v3 =	vadd.s32 v1, v3  }
0xf8: {  	[tilespmem:s19], [sflag:$0x1] =	stream.indirect_vreg.gather [hbm4b:s4+s3], $0x80, v4, vm0, $0xb8;
	[tilespmem:$0x14100] =	vst v63  }
0xf9: {  	_ = 	snop  }
0xfa: {  	[tilespmem:s20], [sflag:$0x1] =	stream.indirect_vreg.gather [hbm4b:s5+s3], $0x80, v4, vm1, $0xb8;
	[tilespmem:$0x14100] =	vst v63  }
0xfb: {  	_ = 	snop  }
0xfc: {  	[tilespmem:s21], [sflag:$0x1] =	stream.indirect_vreg.gather [hbm4b:s4+s3], $0x80, v3, vm0, $0xb8;
	[tilespmem:$0x14100] =	vst v63  }
0xfd: {  	_ = 	snop  }
0xfe: {  	[tilespmem:s22], [sflag:$0x1] =	stream.indirect_vreg.gather [hbm4b:s5+s3], $0x80, v3, vm1, $0xb8;
	[tilespmem:$0x14100] =	vst v63  }
0xff: {  	v3 =	vld [tilespmem:$0xF0];
	_ =	sdelay $0x4  }
0x100: {  	v63 =	vshrl.u32 v3, $0x3  }
0x101: {  	v4 =	vmul.u32 $0x18, v63  }
0x102: {  	v3 =	vand.u32 $0x7, v3  }
0x103: {  	v3 =	vor.u32 v3, v4  }
0x104: {  	v4 =	vperm.xlane v3, v0;
	_ =	sdelay $0x1  }
0x105: {  	v4 =	vadd.s32 v1, v4;
	_ =	sdelay $0x1  }
0x106: {  	v3 =	vperm.xlane v3, v2;
	_ =	sdelay $0x1  }
0x107: {  	v3 =	vadd.s32 v1, v3  }
0x108: {  	[tilespmem:s23], [sflag:$0x1] =	stream.indirect_vreg.gather [hbm4b:s4+s3], $0x80, v4, vm0, $0xb8;
	[tilespmem:$0x14100] =	vst v63  }
0x109: {  	_ = 	snop  }
0x10a: {  	[tilespmem:s24], [sflag:$0x1] =	stream.indirect_vreg.gather [hbm4b:s5+s3], $0x80, v4, vm1, $0xb8;
	[tilespmem:$0x14100] =	vst v63  }
0x10b: {  	_ = 	snop  }
0x10c: {  	[tilespmem:s25], [sflag:$0x1] =	stream.indirect_vreg.gather [hbm4b:s4+s3], $0x80, v3, vm0, $0xb8;
	[tilespmem:$0x14100] =	vst v63  }
0x10d: {  	_ = 	snop  }
0x10e: {  	[tilespmem:s26], [sflag:$0x1] =	stream.indirect_vreg.gather [hbm4b:s5+s3], $0x80, v3, vm1, $0xb8;
	[tilespmem:$0x14100] =	vst v63  }
0x10f: {  	_ =	swait.ge [sflag:s28], $0x8000  }
0x110: {  	[sflag:s28] =	ssyncset.done $0x0  }
0x111: {  	[sflag:s28] =	ssyncadd.s32 $0xFFFF8000  }
0x112: {  	_ =	swait.ge [sflag:s28], $0xC000  }
0x113: {  	[sflag:s28] =	ssyncset.done $0x0  }
0x114: {  	[sflag:s28] =	ssyncadd.s32 $0xFFFF4000  }
0x115: {  	[hbm4b:s31+s3] =	stream.linear.scatter [tilespmem:s10], [sflag:$0x2], $0x8000, $0x38;
	[tilespmem:$0x14100] =	vst v63  }
0x116: {  	_ =	swait.ge [sflag:s9], $0x8000  }
0x117: {  	p0 =	sne.s32 s1, $0x1F0;
	[sflag:s9] =	ssyncset.done $0x0  }
.Ltmp0:
0x118: {  	[sflag:s9] =	ssyncadd.s32 $0xFFFF8000;
	(pc) =	sbr.rel @p0 .LBB2_2-.Ltmp0, $4  }
0x119: {  	[hbm4b:s30+s3] =	stream.linear.scatter [tilespmem:s11], [sflag:$0x2], $0xC000, $0x38;
	[tilespmem:$0x14100] =	vst v63  }
0x11a: {  	_ =	swait.ge [sflag:s9], $0xC000  }
0x11b: {  	s1 =	sadd.s32 $0x10, s1;
	[sflag:s9] =	ssyncset.done $0x0  }
0x11c: {  	s31 =	sadd.s32 $0x1000, s31;
	s30 =	sadd.s32 $0x1800, s30;
	[sflag:s9] =	ssyncadd.s32 $0xFFFF4000  }
0x11d: {  	s0 =	sld [smem:$0x7F8];
	_ =	sdelay $0x1  }
0x11e: {  	s29 =	sadd.s32 $0x1, s29  }
0x11f: {  	p0 =	sne.s32 s29, s0  }
.Ltmp1:
0x120: {  	_ = 	snop;
	(pc) =	sbr.rel @p0 .LBB2_1-.Ltmp1, $1  }
0x121: {  	_ =	sdelay $0x3  }
0x122: {  	_ =	sfence.sel $0x180000  }
0x123: {  	[bflag:$0x0] =	sbarrier.arrive $0xFFFF  }
0x124: {  	_ =	strace $0x9000004A  }
0x125: {  	s0 =	stileid.u32;
	[bflag:$0x2] =	sbarrier.arrive $0xFFFF  }
0x126: {  	p0 =	sne.s32 s0, $0x0;
	s0 =	rddreg [dreg:$0x2]  }
0x127: {  	s0 =	sadd.s32 @!p0 $0x100000, s0  }
0x128: {  	[sflag:s0] =	ssyncadd.tile.s32 @!p0 $0x1;
	_ =	shalt  }
.Lfunc_end2:
_tile_overlayer_lowered:
.L_overlay_start_2:
0x129: {  	(tag) =	ssettag $0x2  }
0x12a: {  	s0 =	rddreg [dreg:$0x0];
	s2 =	stileid.u32  }
0x12b: {  	s1 =	rddreg [dreg:$0x1];
	p0 =	sne.s32 s2, $0x0  }
0x12c: {  	s3 =	rddreg [dreg:$0x2];
	[bflag:$0x3] =	sbarrier.arrive $0xFFFF;
	s2 =	simm.s32 @!p0 $0x1C02  }
0x12d: {  	[timem:s3], [sflag:s2] =	dma.local @!p0 [hbm:s0], s1  }
0x12e: {  	s0 =	simm.s32 @!p0 $0x2  }
0x12f: {  	_ =	swait.ge @!p0 [sflag:s0], s1  }
0x130: {  	s1 =	ssub.s32 @!p0 $0x0, s1;
	[sflag:s0] =	ssyncset.done @!p0 $0x0  }
0x131: {  	[sflag:s0] =	ssyncadd.s32 @!p0 s1  }
0x132: {  	[bflag:$0x3] =	sbarrier.arrive $0xFFFF  }
0x133: {  	_ =	shalt  }

// kernel: kernel.14.cloned.1.call-start
scs
__scs_entry_jumppad:
0x0: {  	(pc) =	sbr.rel $0x88, $3  }
0x1: {  	(tag) =	ssettag $0x0;
	lr =	simm.s32 $0x1  }
0x2: {  	[smem:$0x3F91] =	sst lr;
	_ =	strace $0xD0000000  }
0x3: {  	_ = 	snop  }
0x4: {  	_ = 	snop  }
0x5: {  	_ = 	snop  }
0x6: {  	_ = 	snop  }
0x7: {  	_ = 	snop  }
__scs_overlays_trampoline_lowered:
0x8: {  	[smem:$0x3FA0] =	sst s0  }
0x9: {  	[smem:$0x3FA1] =	sst s1  }
0xa: {  	[smem:$0x3FA2] =	sst s2  }
0xb: {  	[smem:$0x3FA3] =	sst s3  }
0xc: {  	[smem:$0x3FA4] =	sst s4  }
0xd: {  	[smem:$0x3FA5] =	sst s5  }
0xe: {  	[smem:$0x3FA6] =	sst s6  }
0xf: {  	[smem:$0x3FA7] =	sst s7  }
0x10: {  	[smem:$0x3FA8] =	sst s8  }
0x11: {  	[smem:$0x3FA9] =	sst s9;
	s0 =	simm.s32 @!p0 $0x0  }
0x12: {  	s1 =	sld [smem:$0x3F8F];
	s0 =	simm.s32 @p0 $0x1  }
0x13: {  	[smem:$0x3FAA] =	sst s0;
	s0 =	simm.s32 @!p1 $0x0  }
0x14: {  	s2 =	sld [smem:$0x3F8E];
	s0 =	simm.s32 @p1 $0x1  }
0x15: {  	[smem:$0x3FAB] =	sst s0;
	s0 =	simm.s32 @!p2 $0x0  }
0x16: {  	s3 =	sld [smem:$0x3FDB];
	s0 =	simm.s32 @p2 $0x1  }
0x17: {  	s4 =	simm.s32 $0x1BF5;
	[smem:$0x3FAD] =	sst s0  }
0x18: {  	s0 =	sld [smem:$0x3F90];
	_ =	swait.ge [sflag:s4], $0x0  }
0x19: {  	s7 =	sld [smem:$0x3F91]  }
0x1a: {  	s8 =	sadd.s32 $0xFFFFE003, lr  }
0x1b: {  	s9 =	sadd.s32 $0xFFFFFEF7, lr;
	s5 =	simm.s32 $0xFFFFFFFF;
	p2 =	slt.u32 s8, $0xFFFFF086  }
0x1c: {  	p1 =	slt.u32 s9, $0xF7A;
	s5 =	simm.s32 @!p2 $0x0  }
0x1d: {  	s5 =	simm.s32 @p1 $0x1;
	p0 =	seq.s32 s7, s2  }
0x1e: {  	s7 =	smul.u32 @!p0 $0xF7A, s2;
	p2 =	seq.s32 @!p0 s5, $0x0  }
0x1f: {  	s9 =	smul.u32 $0xF7A, s1;
	s8 =	simm.s32 @!p0 $0x1BF5;
	p2 =	por !p2, p0  }
0x20: {  	[sflag:s8] =	ssyncset.s32 @!p0 $0xFFFFF086;
	s6 =	sadd.s32 @!p0 s3, s7;
	s7 =	simm.s32 @!p0 $0x108  }
0x21: {  	s3 =	sadd.s32 s3, s9;
	s6 =	sadd.s32 @!p0 $0x88, s6;
	s7 =	simm.s32 @p2 $0x1082  }
0x22: {  	[simem:s7], [sflag:s8] =	dma.local @!p0 [hbm:s6], $0xF7A  }
0x23: {  	s9 =	sor.u32 $0xD0000000, s2;
	s6 =	simm.s32 $0x108;
	_ =	swait.ge @!p0 [sflag:s8], $0x0  }
0x24: {  	s3 =	sadd.s32 $0x88, s3;
	s6 =	simm.s32 @!p1 $0x1082;
	[sflag:s4] =	ssyncset.s32 $0xFFFFF086  }
0x25: {  	[simem:s6], [sflag:s4] =	dma.local [hbm:s3], $0xF7A  }
0x26: {  	[smem:$0x3F91] =	sst s1;
	(tag) =	ssettag s2;
	_ =	strace s9  }
0x27: {  	s1 =	sld [smem:$0x3FA1]  }
0x28: {  	s2 =	sld [smem:$0x3FA2]  }
0x29: {  	s4 =	sld [smem:$0x3FA4]  }
0x2a: {  	p0 =	seq.s32 s5, $0x0;
	s5 =	sld [smem:$0x3FA5]  }
0x2b: {  	s6 =	sld [smem:$0x3FA6]  }
0x2c: {  	s7 =	sld [smem:$0x3FA7]  }
0x2d: {  	s3 =	simm.s32 $0x108;
	s8 =	sld [smem:$0x3FA8]  }
0x2e: {  	s3 =	simm.s32 @!p0 $0x1082;
	s9 =	sld [smem:$0x3FA9]  }
0x2f: {  	lr =	sadd.s32 s0, s3;
	s0 =	sld [smem:$0x3FA0]  }
0x30: {  	s3 =	sld [smem:$0x3FA3]  }
0x31: {  	[smem:$0x3FAC] =	sst s10  }
0x32: {  	s10 =	sld [smem:$0x3FAA];
	_ =	sdelay $0x3  }
0x33: {  	p0 =	seq.s32 s10, $0x1;
	s10 =	sld [smem:$0x3FAC];
	_ =	sdelay $0x3  }
0x34: {  	[smem:$0x3FAC] =	sst s10  }
0x35: {  	s10 =	sld [smem:$0x3FAB];
	_ =	sdelay $0x3  }
0x36: {  	p1 =	seq.s32 s10, $0x1;
	s10 =	sld [smem:$0x3FAC];
	_ =	sdelay $0x3  }
0x37: {  	[smem:$0x3FAC] =	sst s10  }
0x38: {  	s10 =	sld [smem:$0x3FAD]  }
0x39: {  	_ = 	snop;
	(pc) =	sbr.ind lr, $3  }
0x3a: {  	_ = 	snop  }
0x3b: {  	_ = 	snop  }
0x3c: {  	p2 =	seq.s32 s10, $0x1;
	s10 =	sld [smem:$0x3FAC]  }
0x3d: {  	_ =	shalt  }
0x3e: {  	_ =	shalt  }
0x3f: {  	_ =	shalt  }
0x40: {  	_ =	shalt  }
0x41: {  	_ =	shalt  }
0x42: {  	_ =	shalt  }
0x43: {  	_ =	shalt  }
0x44: {  	_ =	shalt  }
0x45: {  	_ =	shalt  }
0x46: {  	_ =	shalt  }
0x47: {  	_ =	shalt  }
0x48: {  	_ =	shalt  }
0x49: {  	_ =	shalt  }
0x4a: {  	_ =	shalt  }
0x4b: {  	_ =	shalt  }
0x4c: {  	_ =	shalt  }
0x4d: {  	_ =	shalt  }
0x4e: {  	_ =	shalt  }
0x4f: {  	_ =	shalt  }
0x50: {  	_ =	shalt  }
0x51: {  	_ =	shalt  }
0x52: {  	_ =	shalt  }
0x53: {  	_ =	shalt  }
0x54: {  	_ =	shalt  }
0x55: {  	_ =	shalt  }
0x56: {  	_ =	shalt  }
0x57: {  	_ =	shalt  }
0x58: {  	_ =	shalt  }
0x59: {  	_ =	shalt  }
0x5a: {  	_ =	shalt  }
0x5b: {  	_ =	shalt  }
0x5c: {  	_ =	shalt  }
0x5d: {  	_ =	shalt  }
0x5e: {  	_ =	shalt  }
0x5f: {  	_ =	shalt  }
0x60: {  	_ =	shalt  }
0x61: {  	_ =	shalt  }
0x62: {  	_ =	shalt  }
0x63: {  	_ =	shalt  }
0x64: {  	_ =	shalt  }
0x65: {  	_ =	shalt  }
0x66: {  	_ =	shalt  }
0x67: {  	_ =	shalt  }
0x68: {  	_ =	shalt  }
0x69: {  	_ =	shalt  }
0x6a: {  	_ =	shalt  }
0x6b: {  	_ =	shalt  }
0x6c: {  	_ =	shalt  }
0x6d: {  	_ =	shalt  }
0x6e: {  	_ =	shalt  }
0x6f: {  	_ =	shalt  }
0x70: {  	_ =	shalt  }
0x71: {  	_ =	shalt  }
0x72: {  	_ =	shalt  }
0x73: {  	_ =	shalt  }
0x74: {  	_ =	shalt  }
0x75: {  	_ =	shalt  }
0x76: {  	_ =	shalt  }
0x77: {  	_ =	shalt  }
0x78: {  	_ =	shalt  }
0x79: {  	_ =	shalt  }
0x7a: {  	_ =	shalt  }
0x7b: {  	_ =	shalt  }
0x7c: {  	_ =	shalt  }
0x7d: {  	_ =	shalt  }
0x7e: {  	_ =	shalt  }
0x7f: {  	_ =	shalt  }
0x80: {  	_ =	shalt  }
0x81: {  	_ =	shalt  }
0x82: {  	_ =	shalt  }
0x83: {  	_ =	shalt  }
0x84: {  	_ =	shalt  }
0x85: {  	_ =	shalt  }
0x86: {  	_ =	shalt  }
0x87: {  	_ =	shalt  }
.Lfunc_end0:
.L_simem_size_0:
called_computation.2_lowered:
.L_overlay_start_0:
0x88: {  	s2 =	sld [smem:$0x3FD9]  }
0x89: {  	s3 =	sld [smem:$0x3FFE];
	_ =	sdelay $0x1  }
0x8a: {  	s1 =	srdreg.scid  }
0x8b: {  	s0 =	sand.u32 $0x1, s1  }
0x8c: {  	s17 =	sshll.u32 s0, $0xA;
	s2 =	sadd.s32 s3, s2  }
0x8d: {  	s2 =	sadd.s32 s2, s17  }
0x8e: {  	[smem:$0x3FB8] =	sst s2  }
0x8f: {  	_ = 	snop  }
0x90: {  	s18 =	sld [smem:$0x3FC8];
	(tm) =	ssettm $0x1  }
0x91: {  	s19 =	sld [smem:$0x3FFB];
	_ =	sdelay $0x3  }
0x92: {  	_ =	strace s19  }
0x93: {  	s2 =	sld [smem:$0x3FFC];
	_ =	sdelay $0x3  }
0x94: {  	_ =	strace s2  }
0x95: {  	s2 =	sld [smem:$0x3FFD];
	_ =	sdelay $0x3  }
0x96: {  	_ =	strace s2  }
0x97: {  	_ =	strace $0x8FFFFFFF  }
0x98: {  	s20 =	sld [smem:$0x3FDB];
	_ =	sdelay $0x1  }
0x99: {  	s4 =	simm.s32 $_scs_section_size  }
0x9a: {  	s5 =	simm.s32 $_size__tile_overlayer_lowered;
	s6 =	simm.s32 $_tile_overlayer_lowered  }
0x9b: {  	s7 =	simm.s32 $0x1BFF;
	s21 =	sshll.u32 s6, $0x1;
	s4 =	sadd.s32 s4, s20  }
0x9c: {  	s22 =	simm.s32 $0x0;
	s5 =	sshll.u32 s5, $0x1;
	s6 =	sadd.s32 s21, s4  }
0x9d: {  	[timem:s22], [sflag:s7] =	dma.local [hbm:s6], s5  }
0x9e: {  	_ =	swait.ge [sflag:s7], s5  }
0x9f: {  	s5 =	ssub.s32 $0x0, s5;
	[sflag:s7] =	ssyncset.done $0x0  }
0xa0: {  	[sflag:s7] =	ssyncadd.s32 s5;
	_ =	sdelay $0x1  }
0xa1: {  	s23 =	simm.s32 $0x1B8B  }
0xa2: {  	_ =	swait.ge [sflag:s23], $0x1  }
0xa3: {  	[sflag:s23] =	ssyncset.done $0x0  }
0xa4: {  	[sflag:s23] =	ssyncadd.s32 $0xFFFFFFFF  }
0xa5: {  	s5 =	sld [smem:$0x0]  }
0xa6: {  	s6 =	sand.u32 $0xFFFFFFFE, s1  }
0xa7: {  	p0 =	sne.s32 s1, s6  }
0xa8: {  	s6 =	sshll.u32 @p0 s6, $0xE  }
0xa9: {  	s6 =	sadd.s32 @p0 $0x11B8D, s6;
	s7 =	sshll.u32 @p0 s5, $0x11  }
0xaa: {  	s6 =	sor.u32 @p0 s7, s6  }
0xab: {  	[sflag:s6] =	ssyncadd.remote.s32 @p0 $0x1;
	_ =	sdelay $0x1  }
0xac: {  	s6 =	simm.s32 @p0 $0x1B8D  }
0xad: {  	_ =	swait.eq @p0 [sflag:s6], $0x1  }
0xae: {  	[sflag:s6] =	ssyncadd.s32 @p0 $0xFFFFFFFF  }
0xaf: {  	s7 =	sshll.u32 @!p0 s1, $0xE  }
0xb0: {  	s7 =	sor.u32 @!p0 $0x4000, s7;
	s6 =	simm.s32 @!p0 $0x1B8D  }
0xb1: {  	s5 =	sshll.u32 @!p0 s5, $0x11;
	s7 =	sadd.s32 @!p0 $0x11B8D, s7;
	_ =	swait.eq @!p0 [sflag:s6], $0x1  }
0xb2: {  	s5 =	sor.u32 @!p0 s5, s7;
	[sflag:s6] =	ssyncadd.s32 @!p0 $0xFFFFFFFF  }
0xb3: {  	s25 =	simm.s32 $0x1B8E;
	s24 =	sld [smem:$0x3FFE];
	[sflag:s5] =	ssyncadd.remote.s32 @!p0 $0x1  }
0xb4: {  	s26 =	simm.s32 $execute0_lowered;
	[smem:$0x3FD2] =	sst s25  }
0xb5: {  	s6 =	sshll.u32 s26, $0x1;
	_ =	strace $0x8000004C;
	[dreg:$0x1] =	wrdreg $0xFFFFFFFF  }
0xb6: {  	s28 =	simm.s32 $_size_execute0_lowered;
	s4 =	sadd.s32 s4, s6;
	[dreg:$0x0] =	wrdreg $0x0  }
0xb7: {  	s6 =	sshll.u32 s28, $0x1;
	[dreg:$0x2] =	wrdreg s4  }
0xb8: {  	[dreg:$0x3] =	wrdreg s6  }
0xb9: {  	[dreg:$0x4] =	wrdreg $0xC0  }
0xba: {  	_ =	task [dreg:s22], $0x5FFFF  }
0xbb: {  	[dreg:$0x1] =	wrdreg $0xFFFFFFFF  }
0xbc: {  	[dreg:$0x0] =	wrdreg $0x60  }
0xbd: {  	[dreg:$0x2] =	wrdreg s24  }
0xbe: {  	[dreg:$0x3] =	wrdreg s18  }
0xbf: {  	[dreg:$0x4] =	wrdreg $0xA  }
0xc0: {  	_ =	task.clear_ibuf [dreg:s22], $0x5FFFF;
	_ =	strace $0x9000004C  }
0xc1: {  	s29 =	simm.s32 $0xA;
	_ =	strace $0x8000004E  }
0xc2: {  	_ =	swait.ge [sflag:s29], $0x1  }
0xc3: {  	[sflag:s29] =	ssyncadd.s32 $0xFFFFFFFF  }
0xc4: {  	_ =	strace $0x9000004E  }
0xc5: {  	_ =	sfence  }
0xc6: {  	s30 =	sld [smem:$0x0];
	_ =	sdelay $0x2  }
0xc7: {  	s31 =	sshll.u32 s1, $0xD;
	s1 =	sshrl.u32 s1, $0x2  }
0xc8: {  	s4 =	sand.u32 $0x4000, s31;
	s1 =	sadd.s32 s1, s30  }
0xc9: {  	s0 =	sor.u32 s4, s0;
	s1 =	sshll.u32 s1, $0x11  }
0xca: {  	s0 =	sor.u32 s1, s0  }
0xcb: {  	s0 =	sadd.s32 $0x8F2B, s0  }
0xcc: {  	[sflag:s0] =	ssyncadd.remote.s32 $0x1  }
0xcd: {  	_ =	sfence.sel $0xFFFF  }
0xce: {  	[dreg:$0x0] =	wrdreg $0xFFFFFFFF;
	(pc) =	sbr.abs _section_cstart, $3  }
0xcf: {  	[dreg:$0x1] =	wrdreg $0xFFFFFFFF  }
0xd0: {  	_ =	task.clear_ibuf [dreg:s22], $0x2FFFF;
	_ =	strace $0x9FFFFFFF  }
0xd1: {  	(tm) =	ssettm $0x7FFFFFFF  }
tec
execute0_lowered:
.L_overlay_start_1:
0x0: {  	(tag) =	ssettag $0x1  }
0x1: {  	s1 =	srdreg.scid  }
0x2: {  	s0 =	stileid.u32;
	s1 =	sand.u32 $0x1, s1  }
0x3: {  	s5 =	rddreg [dreg:$0x0];
	s3 =	sshll.u32 s0, $0xD;
	s4 =	sshll.u32 s1, $0xC  }
0x4: {  	s2 =	rddreg [dreg:$0x1];
	s4 =	sor.u32 s4, s3;
	s3 =	simm.s32 $0x0  }
0x5: {  	s17 =	simm.s32 $0x80;
	[smem:$0x7FF] =	sst s3  }
0x6: {  	s18 =	simm.s32 $0x900;
	_ =	strace $0x8000004D;
	[dreg:$0x5] =	wrdreg s17  }
0x7: {  	s19 =	simm.s32 $0x1100;
	[dreg:$0x6] =	wrdreg s18  }
0x8: {  	s20 =	simm.s32 $0x1900;
	[dreg:$0x7] =	wrdreg s19  }
0x9: {  	s21 =	simm.s32 $0x2100;
	[dreg:$0x8] =	wrdreg s20  }
0xa: {  	s22 =	simm.s32 $0x2900;
	[dreg:$0x9] =	wrdreg s21  }
0xb: {  	s23 =	simm.s32 $0x3100;
	[dreg:$0xa] =	wrdreg s22  }
0xc: {  	s24 =	simm.s32 $0x3900;
	[dreg:$0xb] =	wrdreg s23  }
0xd: {  	s25 =	simm.s32 $0x4100;
	[dreg:$0xc] =	wrdreg s24  }
0xe: {  	s26 =	simm.s32 $0x4900;
	[dreg:$0xd] =	wrdreg s25  }
0xf: {  	s30 =	simm.s32 $0x5100;
	[dreg:$0xe] =	wrdreg s26  }
0x10: {  	s31 =	simm.s32 $0x5900;
	[dreg:$0xf] =	wrdreg s30  }
0x11: {  	s8 =	simm.s32 $0x6900;
	[dreg:$0x10] =	wrdreg s31  }
0x12: {  	s9 =	simm.s32 $0x7100;
	[dreg:$0x12] =	wrdreg s8  }
0x13: {  	s10 =	simm.s32 $0x7900;
	s11 =	simm.s32 $0x8900;
	[dreg:$0x13] =	wrdreg s9  }
0x14: {  	s12 =	simm.s32 $0x8D00;
	s13 =	simm.s32 $0x9500;
	[dreg:$0x14] =	wrdreg s10  }
0x15: {  	s14 =	simm.s32 $0x9900;
	s16 =	simm.s32 $0xA100;
	[dreg:$0x15] =	wrdreg s11  }
0x16: {  	s28 =	simm.s32 $0x1;
	s29 =	simm.s32 $0x0;
	[dreg:$0x16] =	wrdreg s12  }
0x17: {  	s15 =	ssub.s32 $0x2, s1;
	s6 =	sshrl.u32 s4, $0x3;
	[dreg:$0x17] =	wrdreg s13  }
0x18: {  	s1 =	sshll.u32 s1, $0x11;
	s4 =	sadd.s32 s6, s5;
	[dreg:$0x18] =	wrdreg s14  }
0x19: {  	s8 =	sshll.u32 s0, $0x12;
	[dreg:$0x19] =	wrdreg s16;
	s17 =	simm.s32 $0xA500  }
0x1a: {  	s6 =	smul.u32 $0x180, s6;
	s18 =	simm.s32 $0xAD00;
	[dreg:$0x1a] =	wrdreg s17  }
0x1b: {  	s10 =	sshrl.u32 s15, $0x1;
	s19 =	simm.s32 $0xB100;
	[dreg:$0x1b] =	wrdreg s18  }
0x1c: {  	s21 =	simm.s32 $0xB900;
	s22 =	simm.s32 $0xBD00;
	[dreg:$0x1c] =	wrdreg s19  }
0x1d: {  	s23 =	simm.s32 $0xC500;
	s24 =	simm.s32 $0xC900;
	[dreg:$0x1d] =	wrdreg s21  }
0x1e: {  	s25 =	simm.s32 $0xD100;
	s26 =	simm.s32 $0xD500;
	[dreg:$0x1e] =	wrdreg s22  }
0x1f: {  	s30 =	simm.s32 $0xDD00;
	s11 =	simm.s32 $0x8100;
	[dreg:$0x1f] =	wrdreg s23  }
0x20: {  	s31 =	simm.s32 $0xE100;
	s12 =	simm.s32 $0xE900;
	[smem:$0x7F9] =	sst s24  }
0x21: {  	s13 =	simm.s32 $0xED00;
	s14 =	simm.s32 $0xF500;
	[smem:$0x7FA] =	sst s25  }
0x22: {  	s16 =	simm.s32 $0x10100;
	s7 =	sadd.s32 $0xA38800, s4;
	[smem:$0x7FB] =	sst s26  }
0x23: {  	s4 =	sadd.s32 $0xA3C800, s4;
	s8 =	sadd.s32 s8, s5;
	[smem:$0x7FC] =	sst s30  }
0x24: {  	[smem:$0x7FD] =	sst s31;
	s17 =	simm.s32 $0x10500;
	s18 =	simm.s32 $0x10D00  }
0x25: {  	s19 =	simm.s32 $0x11100;
	s21 =	simm.s32 $0x11D00;
	s22 =	simm.s32 $0x12500  }
0x26: {  	s23 =	simm.s32 $0x12900;
	s24 =	simm.s32 $0x13100;
	[dreg:$0x3] =	wrdreg s7  }
0x27: {  	s25 =	simm.s32 $0x13500;
	s26 =	simm.s32 $0x13D00;
	[dreg:$0x4] =	wrdreg s4  }
0x28: {  	s7 =	simm.s32 $0x6100;
	s4 =	sadd.s32 $0x24C00, s5;
	s9 =	sadd.s32 s6, s5  }
0x29: {  	s5 =	sadd.s32 $0x24D00, s5;
	s1 =	sadd.s32 s1, s8;
	[dreg:$0x11] =	wrdreg s7  }
0x2a: {  	v2 =	vlaneseq.u32;
	s7 =	ssub.s32 s15, s10;
	s8 =	sadd.s32 $0xE40800, s9;
	s9 =	simm.s32 $0x2  }
0x2b: {  	vm0 =	vmmov $0xffff;
	vm1 =	vmmov $0xff;
	v1 =	vshrl.u32 v2, $0x3;
	s10 =	simm.s32 $0x100;
	s15 =	simm.s32 $0xF900;
	s20 =	smax.u32 s7, $0x1  }
0x2c: {  	v0 =	vand.u32 $0x7, v2;
	v2 =	vor.u32 $0x8, v2;
	v1 =	vmul.u32 $0x8, v1;
	s7 =	sadd.s32 $0xA40800, s1;
	[smem:$0x7F8] =	sst s20;
	s20 =	simm.s32 $0x11900  }
.LBB2_1:
0x2d: {  	s30 =	smov.u32 s8;
	s31 =	smov.u32 s7;
	s1 =	simm.s32 $0x0  }
.LBB2_2:
0x2e: {  	s0 =	rddreg [dreg:$0x4]  }
0x2f: {  	s0 =	sadd.s32 s1, s0  }
0x30: {  	[tilespmem:s3], [sflag:$0x2] =	stream.linear.gather [hbm4b:s0+s3], $0x80, $0x38;
	[tilespmem:$0x14100] =	vst v63  }
0x31: {  	_ =	swait.ge [sflag:s9], $0x80  }
0x32: {  	s0 =	rddreg [dreg:$0x3];
	[sflag:s9] =	ssyncset.done $0x0  }
0x33: {  	s6 =	rddreg [dreg:$0x5];
	[sflag:s9] =	ssyncadd.s32 $0xFFFFFF80;
	s0 =	sadd.s32 s1, s0  }
0x34: {  	[tilespmem:s6], [sflag:$0x2] =	stream.linear.gather [hbm4b:s0+s3], $0x80, $0x38;
	[tilespmem:$0x14100] =	vst v63  }
0x35: {  	_ =	swait.ge [sflag:s9], $0x80  }
0x36: {  	[sflag:s9] =	ssyncset.done $0x0  }
0x37: {  	[sflag:s9] =	ssyncadd.s32 $0xFFFFFF80  }
0x38: {  	v3 =	vld [tilespmem:$0x0];
	_ =	sdelay $0x4  }
0x39: {  	v4 =	vshll.u32 v3, $0x1  }
0x3a: {  	v3 =	vand.u32 $0x7, v3;
	v4 =	vand.u32 $0xFFFFFFF0, v4  }
0x3b: {  	v3 =	vor.u32 v3, v4  }
0x3c: {  	v4 =	vperm.xlane v3, v0;
	_ =	sdelay $0x1  }
0x3d: {  	v3 =	vperm.xlane v3, v2;
	v4 =	vadd.s32 v1, v4;
	_ =	sdelay $0x1  }
0x3e: {  	v3 =	vadd.s32 v1, v3;
	_ =	sdelay $0x2  }
0x3f: {  	[tilespmem:s10], [sflag:$0x1] =	stream.indirect_vreg.gather [hbm4b:s2+s3], $0x80, v4, vm0, $0xb8;
	[tilespmem:$0x14100] =	vst v63  }
0x40: {  	s6 =	rddreg [dreg:$0x6]  }
0x41: {  	[tilespmem:s6], [sflag:$0x1] =	stream.indirect_vreg.gather [hbm4b:s2+s3], $0x80, v3, vm0, $0xb8;
	[tilespmem:$0x14100] =	vst v63  }
0x42: {  	v3 =	vld [tilespmem:$0x10];
	_ =	sdelay $0x4  }
0x43: {  	v49 =	vshll.u32 v3, $0x1  }
0x44: {  	v3 =	vand.u32 $0x7, v3;
	v4 =	vand.u32 $0xFFFFFFF0, v49  }
0x45: {  	v3 =	vor.u32 v3, v4  }
0x46: {  	v4 =	vperm.xlane v3, v0;
	_ =	sdelay $0x1  }
0x47: {  	v3 =	vperm.xlane v3, v2;
	v4 =	vadd.s32 v1, v4;
	_ =	sdelay $0x1  }
0x48: {  	v3 =	vadd.s32 v1, v3;
	_ =	sdelay $0x1  }
0x49: {  	s0 =	rddreg [dreg:$0x7]  }
0x4a: {  	[tilespmem:s0], [sflag:$0x1] =	stream.indirect_vreg.gather [hbm4b:s2+s3], $0x80, v4, vm0, $0xb8;
	[tilespmem:$0x14100] =	vst v63  }
0x4b: {  	s6 =	rddreg [dreg:$0x8]  }
0x4c: {  	[tilespmem:s6], [sflag:$0x1] =	stream.indirect_vreg.gather [hbm4b:s2+s3], $0x80, v3, vm0, $0xb8;
	[tilespmem:$0x14100] =	vst v63  }
0x4d: {  	v3 =	vld [tilespmem:$0x20];
	_ =	sdelay $0x4  }
0x4e: {  	v50 =	vshll.u32 v3, $0x1  }
0x4f: {  	v3 =	vand.u32 $0x7, v3;
	v4 =	vand.u32 $0xFFFFFFF0, v50  }
0x50: {  	v3 =	vor.u32 v3, v4  }
0x51: {  	v4 =	vperm.xlane v3, v0;
	_ =	sdelay $0x1  }
0x52: {  	v3 =	vperm.xlane v3, v2;
	v4 =	vadd.s32 v1, v4;
	_ =	sdelay $0x1  }
0x53: {  	v3 =	vadd.s32 v1, v3;
	_ =	sdelay $0x1  }
0x54: {  	s0 =	rddreg [dreg:$0x9]  }
0x55: {  	[tilespmem:s0], [sflag:$0x1] =	stream.indirect_vreg.gather [hbm4b:s2+s3], $0x80, v4, vm0, $0xb8;
	[tilespmem:$0x14100] =	vst v63  }
0x56: {  	s6 =	rddreg [dreg:$0xa]  }
0x57: {  	[tilespmem:s6], [sflag:$0x1] =	stream.indirect_vreg.gather [hbm4b:s2+s3], $0x80, v3, vm0, $0xb8;
	[tilespmem:$0x14100] =	vst v63  }
0x58: {  	v3 =	vld [tilespmem:$0x30];
	_ =	sdelay $0x4  }
0x59: {  	v51 =	vshll.u32 v3, $0x1  }
0x5a: {  	v3 =	vand.u32 $0x7, v3;
	v4 =	vand.u32 $0xFFFFFFF0, v51  }
0x5b: {  	v3 =	vor.u32 v3, v4  }
0x5c: {  	v4 =	vperm.xlane v3, v0;
	_ =	sdelay $0x1  }
0x5d: {  	v3 =	vperm.xlane v3, v2;
	v4 =	vadd.s32 v1, v4;
	_ =	sdelay $0x1  }
0x5e: {  	v3 =	vadd.s32 v1, v3;
	_ =	sdelay $0x1  }
0x5f: {  	s0 =	rddreg [dreg:$0xb]  }
0x60: {  	[tilespmem:s0], [sflag:$0x1] =	stream.indirect_vreg.gather [hbm4b:s2+s3], $0x80, v4, vm0, $0xb8;
	[tilespmem:$0x14100] =	vst v63  }
0x61: {  	s6 =	rddreg [dreg:$0xc]  }
0x62: {  	[tilespmem:s6], [sflag:$0x1] =	stream.indirect_vreg.gather [hbm4b:s2+s3], $0x80, v3, vm0, $0xb8;
	[tilespmem:$0x14100] =	vst v63  }
0x63: {  	v3 =	vld [tilespmem:$0x40];
	_ =	sdelay $0x4  }
0x64: {  	v52 =	vshll.u32 v3, $0x1  }
0x65: {  	v3 =	vand.u32 $0x7, v3;
	v4 =	vand.u32 $0xFFFFFFF0, v52  }
0x66: {  	v3 =	vor.u32 v3, v4  }
0x67: {  	v4 =	vperm.xlane v3, v0;
	_ =	sdelay $0x1  }
0x68: {  	v3 =	vperm.xlane v3, v2;
	v4 =	vadd.s32 v1, v4;
	_ =	sdelay $0x1  }
0x69: {  	v3 =	vadd.s32 v1, v3;
	_ =	sdelay $0x1  }
0x6a: {  	s0 =	rddreg [dreg:$0xd]  }
0x6b: {  	[tilespmem:s0], [sflag:$0x1] =	stream.indirect_vreg.gather [hbm4b:s2+s3], $0x80, v4, vm0, $0xb8;
	[tilespmem:$0x14100] =	vst v63  }
0x6c: {  	s6 =	rddreg [dreg:$0xe]  }
0x6d: {  	[tilespmem:s6], [sflag:$0x1] =	stream.indirect_vreg.gather [hbm4b:s2+s3], $0x80, v3, vm0, $0xb8;
	[tilespmem:$0x14100] =	vst v63  }
0x6e: {  	v3 =	vld [tilespmem:$0x50];
	_ =	sdelay $0x4  }
0x6f: {  	v53 =	vshll.u32 v3, $0x1  }
0x70: {  	v3 =	vand.u32 $0x7, v3;
	v4 =	vand.u32 $0xFFFFFFF0, v53  }
0x71: {  	v3 =	vor.u32 v3, v4  }
0x72: {  	v4 =	vperm.xlane v3, v0;
	_ =	sdelay $0x1  }
0x73: {  	v3 =	vperm.xlane v3, v2;
	v4 =	vadd.s32 v1, v4;
	_ =	sdelay $0x1  }
0x74: {  	v3 =	vadd.s32 v1, v3;
	_ =	sdelay $0x1  }
0x75: {  	s0 =	rddreg [dreg:$0xf]  }
0x76: {  	[tilespmem:s0], [sflag:$0x1] =	stream.indirect_vreg.gather [hbm4b:s2+s3], $0x80, v4, vm0, $0xb8;
	[tilespmem:$0x14100] =	vst v63  }
0x77: {  	s6 =	rddreg [dreg:$0x10]  }
0x78: {  	[tilespmem:s6], [sflag:$0x1] =	stream.indirect_vreg.gather [hbm4b:s2+s3], $0x80, v3, vm0, $0xb8;
	[tilespmem:$0x14100] =	vst v63  }
0x79: {  	v3 =	vld [tilespmem:$0x60];
	_ =	sdelay $0x4  }
0x7a: {  	v54 =	vshll.u32 v3, $0x1  }
0x7b: {  	v3 =	vand.u32 $0x7, v3;
	v4 =	vand.u32 $0xFFFFFFF0, v54  }
0x7c: {  	v3 =	vor.u32 v3, v4  }
0x7d: {  	v4 =	vperm.xlane v3, v0;
	_ =	sdelay $0x1  }
0x7e: {  	v3 =	vperm.xlane v3, v2;
	v4 =	vadd.s32 v1, v4;
	_ =	sdelay $0x1  }
0x7f: {  	v3 =	vadd.s32 v1, v3;
	_ =	sdelay $0x1  }
0x80: {  	s0 =	rddreg [dreg:$0x11]  }
0x81: {  	[tilespmem:s0], [sflag:$0x1] =	stream.indirect_vreg.gather [hbm4b:s2+s3], $0x80, v4, vm0, $0xb8;
	[tilespmem:$0x14100] =	vst v63  }
0x82: {  	s6 =	rddreg [dreg:$0x12]  }
0x83: {  	[tilespmem:s6], [sflag:$0x1] =	stream.indirect_vreg.gather [hbm4b:s2+s3], $0x80, v3, vm0, $0xb8;
	[tilespmem:$0x14100] =	vst v63  }
0x84: {  	v3 =	vld [tilespmem:$0x70];
	_ =	sdelay $0x4  }
0x85: {  	v55 =	vshll.u32 v3, $0x1  }
0x86: {  	v3 =	vand.u32 $0x7, v3;
	v4 =	vand.u32 $0xFFFFFFF0, v55  }
0x87: {  	v3 =	vor.u32 v3, v4  }
0x88: {  	v4 =	vperm.xlane v3, v0;
	_ =	sdelay $0x1  }
0x89: {  	v3 =	vperm.xlane v3, v2;
	v4 =	vadd.s32 v1, v4;
	_ =	sdelay $0x1  }
0x8a: {  	v3 =	vadd.s32 v1, v3;
	_ =	sdelay $0x1  }
0x8b: {  	s0 =	rddreg [dreg:$0x13]  }
0x8c: {  	[tilespmem:s0], [sflag:$0x1] =	stream.indirect_vreg.gather [hbm4b:s2+s3], $0x80, v4, vm0, $0xb8;
	[tilespmem:$0x14100] =	vst v63  }
0x8d: {  	s6 =	rddreg [dreg:$0x14]  }
0x8e: {  	[tilespmem:s6], [sflag:$0x1] =	stream.indirect_vreg.gather [hbm4b:s2+s3], $0x80, v3, vm0, $0xb8;
	[tilespmem:$0x14100] =	vst v63  }
0x8f: {  	v3 =	vld [tilespmem:$0x80];
	_ =	sdelay $0x4  }
0x90: {  	v56 =	vshrl.u32 v3, $0x3  }
0x91: {  	v4 =	vmul.u32 $0x18, v56  }
0x92: {  	v3 =	vand.u32 $0x7, v3  }
0x93: {  	v3 =	vor.u32 v3, v4  }
0x94: {  	v4 =	vperm.xlane v3, v0;
	_ =	sdelay $0x1  }
0x95: {  	v4 =	vadd.s32 v1, v4;
	_ =	sdelay $0x1  }
0x96: {  	v3 =	vperm.xlane v3, v2;
	_ =	sdelay $0x1  }
0x97: {  	v3 =	vadd.s32 v1, v3  }
0x98: {  	[tilespmem:s11], [sflag:$0x1] =	stream.indirect_vreg.gather [hbm4b:s4+s3], $0x80, v4, vm0, $0xb8;
	[tilespmem:$0x14100] =	vst v63  }
0x99: {  	s0 =	rddreg [dreg:$0x15]  }
0x9a: {  	[tilespmem:s0], [sflag:$0x1] =	stream.indirect_vreg.gather [hbm4b:s5+s3], $0x80, v4, vm1, $0xb8;
	[tilespmem:$0x14100] =	vst v63  }
0x9b: {  	s6 =	rddreg [dreg:$0x16]  }
0x9c: {  	[tilespmem:s6], [sflag:$0x1] =	stream.indirect_vreg.gather [hbm4b:s4+s3], $0x80, v3, vm0, $0xb8;
	[tilespmem:$0x14100] =	vst v63  }
0x9d: {  	s0 =	rddreg [dreg:$0x17]  }
0x9e: {  	[tilespmem:s0], [sflag:$0x1] =	stream.indirect_vreg.gather [hbm4b:s5+s3], $0x80, v3, vm1, $0xb8;
	[tilespmem:$0x14100] =	vst v63  }
0x9f: {  	v3 =	vld [tilespmem:$0x90];
	_ =	sdelay $0x4  }
0xa0: {  	v57 =	vshrl.u32 v3, $0x3  }
0xa1: {  	v4 =	vmul.u32 $0x18, v57  }
0xa2: {  	v3 =	vand.u32 $0x7, v3  }
0xa3: {  	v3 =	vor.u32 v3, v4  }
0xa4: {  	v4 =	vperm.xlane v3, v0;
	_ =	sdelay $0x1  }
0xa5: {  	v4 =	vadd.s32 v1, v4;
	_ =	sdelay $0x1  }
0xa6: {  	v3 =	vperm.xlane v3, v2;
	_ =	sdelay $0x1  }
0xa7: {  	s0 =	rddreg [dreg:$0x18];
	v3 =	vadd.s32 v1, v3  }
0xa8: {  	[tilespmem:s0], [sflag:$0x1] =	stream.indirect_vreg.gather [hbm4b:s4+s3], $0x80, v4, vm0, $0xb8;
	[tilespmem:$0x14100] =	vst v63  }
0xa9: {  	s6 =	rddreg [dreg:$0x19]  }
0xaa: {  	[tilespmem:s6], [sflag:$0x1] =	stream.indirect_vreg.gather [hbm4b:s5+s3], $0x80, v4, vm1, $0xb8;
	[tilespmem:$0x14100] =	vst v63  }
0xab: {  	s0 =	rddreg [dreg:$0x1a]  }
0xac: {  	[tilespmem:s0], [sflag:$0x1] =	stream.indirect_vreg.gather [hbm4b:s4+s3], $0x80, v3, vm0, $0xb8;
	[tilespmem:$0x14100] =	vst v63  }
0xad: {  	s6 =	rddreg [dreg:$0x1b]  }
0xae: {  	[tilespmem:s6], [sflag:$0x1] =	stream.indirect_vreg.gather [hbm4b:s5+s3], $0x80, v3, vm1, $0xb8;
	[tilespmem:$0x14100] =	vst v63  }
0xaf: {  	v3 =	vld [tilespmem:$0xA0];
	_ =	sdelay $0x4  }
0xb0: {  	v58 =	vshrl.u32 v3, $0x3  }
0xb1: {  	v4 =	vmul.u32 $0x18, v58  }
0xb2: {  	v3 =	vand.u32 $0x7, v3  }
0xb3: {  	v3 =	vor.u32 v3, v4  }
0xb4: {  	v4 =	vperm.xlane v3, v0;
	_ =	sdelay $0x1  }
0xb5: {  	v4 =	vadd.s32 v1, v4;
	_ =	sdelay $0x1  }
0xb6: {  	v3 =	vperm.xlane v3, v2;
	_ =	sdelay $0x1  }
0xb7: {  	s0 =	rddreg [dreg:$0x1c];
	v3 =	vadd.s32 v1, v3  }
0xb8: {  	[tilespmem:s0], [sflag:$0x1] =	stream.indirect_vreg.gather [hbm4b:s4+s3], $0x80, v4, vm0, $0xb8;
	[tilespmem:$0x14100] =	vst v63  }
0xb9: {  	s6 =	rddreg [dreg:$0x1d]  }
0xba: {  	[tilespmem:s6], [sflag:$0x1] =	stream.indirect_vreg.gather [hbm4b:s5+s3], $0x80, v4, vm1, $0xb8;
	[tilespmem:$0x14100] =	vst v63  }
0xbb: {  	s0 =	rddreg [dreg:$0x1e]  }
0xbc: {  	[tilespmem:s0], [sflag:$0x1] =	stream.indirect_vreg.gather [hbm4b:s4+s3], $0x80, v3, vm0, $0xb8;
	[tilespmem:$0x14100] =	vst v63  }
0xbd: {  	s6 =	rddreg [dreg:$0x1f]  }
0xbe: {  	[tilespmem:s6], [sflag:$0x1] =	stream.indirect_vreg.gather [hbm4b:s5+s3], $0x80, v3, vm1, $0xb8;
	[tilespmem:$0x14100] =	vst v63  }
0xbf: {  	v3 =	vld [tilespmem:$0xB0];
	_ =	sdelay $0x4  }
0xc0: {  	v59 =	vshrl.u32 v3, $0x3  }
0xc1: {  	v4 =	vmul.u32 $0x18, v59  }
0xc2: {  	v3 =	vand.u32 $0x7, v3  }
0xc3: {  	v3 =	vor.u32 v3, v4  }
0xc4: {  	v4 =	vperm.xlane v3, v0;
	_ =	sdelay $0x1  }
0xc5: {  	v4 =	vadd.s32 v1, v4;
	_ =	sdelay $0x1  }
0xc6: {  	s0 =	sld [smem:$0x7F9];
	v3 =	vperm.xlane v3, v2;
	_ =	sdelay $0x1  }
0xc7: {  	s6 =	sld [smem:$0x7FA];
	v3 =	vadd.s32 v1, v3  }
0xc8: {  	[tilespmem:s0], [sflag:$0x1] =	stream.indirect_vreg.gather [hbm4b:s4+s3], $0x80, v4, vm0, $0xb8;
	[tilespmem:$0x14100] =	vst v63  }
0xc9: {  	s0 =	sld [smem:$0x7FB]  }
0xca: {  	[tilespmem:s6], [sflag:$0x1] =	stream.indirect_vreg.gather [hbm4b:s5+s3], $0x80, v4, vm1, $0xb8;
	[tilespmem:$0x14100] =	vst v63  }
0xcb: {  	s6 =	sld [smem:$0x7FC]  }
0xcc: {  	[tilespmem:s0], [sflag:$0x1] =	stream.indirect_vreg.gather [hbm4b:s4+s3], $0x80, v3, vm0, $0xb8;
	[tilespmem:$0x14100] =	vst v63  }
0xcd: {  	_ = 	snop  }
0xce: {  	[tilespmem:s6], [sflag:$0x1] =	stream.indirect_vreg.gather [hbm4b:s5+s3], $0x80, v3, vm1, $0xb8;
	[tilespmem:$0x14100] =	vst v63  }
0xcf: {  	v3 =	vld [tilespmem:$0xC0];
	_ =	sdelay $0x4  }
0xd0: {  	v60 =	vshrl.u32 v3, $0x3  }
0xd1: {  	v4 =	vmul.u32 $0x18, v60  }
0xd2: {  	v3 =	vand.u32 $0x7, v3  }
0xd3: {  	v3 =	vor.u32 v3, v4  }
0xd4: {  	v4 =	vperm.xlane v3, v0;
	_ =	sdelay $0x1  }
0xd5: {  	v4 =	vadd.s32 v1, v4;
	_ =	sdelay $0x1  }
0xd6: {  	s6 =	sld [smem:$0x7FD];
	v3 =	vperm.xlane v3, v2;
	_ =	sdelay $0x1  }
0xd7: {  	v3 =	vadd.s32 v1, v3  }
0xd8: {  	[tilespmem:s6], [sflag:$0x1] =	stream.indirect_vreg.gather [hbm4b:s4+s3], $0x80, v4, vm0, $0xb8;
	[tilespmem:$0x14100] =	vst v63  }
0xd9: {  	_ = 	snop  }
0xda: {  	[tilespmem:s12], [sflag:$0x1] =	stream.indirect_vreg.gather [hbm4b:s5+s3], $0x80, v4, vm1, $0xb8;
	[tilespmem:$0x14100] =	vst v63  }
0xdb: {  	_ = 	snop  }
0xdc: {  	[tilespmem:s13], [sflag:$0x1] =	stream.indirect_vreg.gather [hbm4b:s4+s3], $0x80, v3, vm0, $0xb8;
	[tilespmem:$0x14100] =	vst v63  }
0xdd: {  	_ = 	snop  }
0xde: {  	[tilespmem:s14], [sflag:$0x1] =	stream.indirect_vreg.gather [hbm4b:s5+s3], $0x80, v3, vm1, $0xb8;
	[tilespmem:$0x14100] =	vst v63  }
0xdf: {  	v3 =	vld [tilespmem:$0xD0];
	_ =	sdelay $0x4  }
0xe0: {  	v61 =	vshrl.u32 v3, $0x3  }
0xe1: {  	v4 =	vmul.u32 $0x18, v61  }
0xe2: {  	v3 =	vand.u32 $0x7, v3  }
0xe3: {  	v3 =	vor.u32 v3, v4  }
0xe4: {  	v4 =	vperm.xlane v3, v0;
	_ =	sdelay $0x1  }
0xe5: {  	v4 =	vadd.s32 v1, v4;
	_ =	sdelay $0x1  }
0xe6: {  	v3 =	vperm.xlane v3, v2;
	_ =	sdelay $0x1  }
0xe7: {  	v3 =	vadd.s32 v1, v3  }
0xe8: {  	[tilespmem:s15], [sflag:$0x1] =	stream.indirect_vreg.gather [hbm4b:s4+s3], $0x80, v4, vm0, $0xb8;
	[tilespmem:$0x14100] =	vst v63  }
0xe9: {  	_ = 	snop  }
0xea: {  	[tilespmem:s16], [sflag:$0x1] =	stream.indirect_vreg.gather [hbm4b:s5+s3], $0x80, v4, vm1, $0xb8;
	[tilespmem:$0x14100] =	vst v63  }
0xeb: {  	_ = 	snop  }
0xec: {  	[tilespmem:s17], [sflag:$0x1] =	stream.indirect_vreg.gather [hbm4b:s4+s3], $0x80, v3, vm0, $0xb8;
	[tilespmem:$0x14100] =	vst v63  }
0xed: {  	_ = 	snop  }
0xee: {  	[tilespmem:s18], [sflag:$0x1] =	stream.indirect_vreg.gather [hbm4b:s5+s3], $0x80, v3, vm1, $0xb8;
	[tilespmem:$0x14100] =	vst v63  }
0xef: {  	v3 =	vld [tilespmem:$0xE0];
	_ =	sdelay $0x4  }
0xf0: {  	v62 =	vshrl.u32 v3, $0x3  }
0xf1: {  	v4 =	vmul.u32 $0x18, v62  }
0xf2: {  	v3 =	vand.u32 $0x7, v3  }
0xf3: {  	v3 =	vor.u32 v3, v4  }
0xf4: {  	v4 =	vperm.xlane v3, v0;
	_ =	sdelay $0x1  }
0xf5: {  	v4 =	vadd.s32 v1, v4;
	_ =	sdelay $0x1  }
0xf6: {  	v3 =	vperm.xlane v3, v2;
	_ =	sdelay $0x1  }
0xf7: {  	v3 =	vadd.s32 v1, v3  }
0xf8: {  	[tilespmem:s19], [sflag:$0x1] =	stream.indirect_vreg.gather [hbm4b:s4+s3], $0x80, v4, vm0, $0xb8;
	[tilespmem:$0x14100] =	vst v63  }
0xf9: {  	_ = 	snop  }
0xfa: {  	[tilespmem:s20], [sflag:$0x1] =	stream.indirect_vreg.gather [hbm4b:s5+s3], $0x80, v4, vm1, $0xb8;
	[tilespmem:$0x14100] =	vst v63  }
0xfb: {  	_ = 	snop  }
0xfc: {  	[tilespmem:s21], [sflag:$0x1] =	stream.indirect_vreg.gather [hbm4b:s4+s3], $0x80, v3, vm0, $0xb8;
	[tilespmem:$0x14100] =	vst v63  }
0xfd: {  	_ = 	snop  }
0xfe: {  	[tilespmem:s22], [sflag:$0x1] =	stream.indirect_vreg.gather [hbm4b:s5+s3], $0x80, v3, vm1, $0xb8;
	[tilespmem:$0x14100] =	vst v63  }
0xff: {  	v3 =	vld [tilespmem:$0xF0];
	_ =	sdelay $0x4  }
0x100: {  	v63 =	vshrl.u32 v3, $0x3  }
0x101: {  	v4 =	vmul.u32 $0x18, v63  }
0x102: {  	v3 =	vand.u32 $0x7, v3  }
0x103: {  	v3 =	vor.u32 v3, v4  }
0x104: {  	v4 =	vperm.xlane v3, v0;
	_ =	sdelay $0x1  }
0x105: {  	v4 =	vadd.s32 v1, v4;
	_ =	sdelay $0x1  }
0x106: {  	v3 =	vperm.xlane v3, v2;
	_ =	sdelay $0x1  }
0x107: {  	v3 =	vadd.s32 v1, v3  }
0x108: {  	[tilespmem:s23], [sflag:$0x1] =	stream.indirect_vreg.gather [hbm4b:s4+s3], $0x80, v4, vm0, $0xb8;
	[tilespmem:$0x14100] =	vst v63  }
0x109: {  	_ = 	snop  }
0x10a: {  	[tilespmem:s24], [sflag:$0x1] =	stream.indirect_vreg.gather [hbm4b:s5+s3], $0x80, v4, vm1, $0xb8;
	[tilespmem:$0x14100] =	vst v63  }
0x10b: {  	_ = 	snop  }
0x10c: {  	[tilespmem:s25], [sflag:$0x1] =	stream.indirect_vreg.gather [hbm4b:s4+s3], $0x80, v3, vm0, $0xb8;
	[tilespmem:$0x14100] =	vst v63  }
0x10d: {  	_ = 	snop  }
0x10e: {  	[tilespmem:s26], [sflag:$0x1] =	stream.indirect_vreg.gather [hbm4b:s5+s3], $0x80, v3, vm1, $0xb8;
	[tilespmem:$0x14100] =	vst v63  }
0x10f: {  	_ =	swait.ge [sflag:s28], $0x8000  }
0x110: {  	[sflag:s28] =	ssyncset.done $0x0  }
0x111: {  	[sflag:s28] =	ssyncadd.s32 $0xFFFF8000  }
0x112: {  	_ =	swait.ge [sflag:s28], $0xC000  }
0x113: {  	[sflag:s28] =	ssyncset.done $0x0  }
0x114: {  	[sflag:s28] =	ssyncadd.s32 $0xFFFF4000  }
0x115: {  	[hbm4b:s31+s3] =	stream.linear.scatter [tilespmem:s10], [sflag:$0x2], $0x8000, $0x38;
	[tilespmem:$0x14100] =	vst v63  }
0x116: {  	_ =	swait.ge [sflag:s9], $0x8000  }
0x117: {  	p0 =	sne.s32 s1, $0x1F0;
	[sflag:s9] =	ssyncset.done $0x0  }
.Ltmp0:
0x118: {  	[sflag:s9] =	ssyncadd.s32 $0xFFFF8000;
	(pc) =	sbr.rel @p0 .LBB2_2-.Ltmp0, $4  }
0x119: {  	[hbm4b:s30+s3] =	stream.linear.scatter [tilespmem:s11], [sflag:$0x2], $0xC000, $0x38;
	[tilespmem:$0x14100] =	vst v63  }
0x11a: {  	_ =	swait.ge [sflag:s9], $0xC000  }
0x11b: {  	s1 =	sadd.s32 $0x10, s1;
	[sflag:s9] =	ssyncset.done $0x0  }
0x11c: {  	s31 =	sadd.s32 $0x1000, s31;
	s30 =	sadd.s32 $0x1800, s30;
	[sflag:s9] =	ssyncadd.s32 $0xFFFF4000  }
0x11d: {  	s0 =	sld [smem:$0x7F8];
	_ =	sdelay $0x1  }
0x11e: {  	s29 =	sadd.s32 $0x1, s29  }
0x11f: {  	p0 =	sne.s32 s29, s0  }
.Ltmp1:
0x120: {  	_ = 	snop;
	(pc) =	sbr.rel @p0 .LBB2_1-.Ltmp1, $1  }
0x121: {  	_ =	sdelay $0x3  }
0x122: {  	_ =	sfence.sel $0x180000  }
0x123: {  	[bflag:$0x0] =	sbarrier.arrive $0xFFFF  }
0x124: {  	_ =	strace $0x9000004D  }
0x125: {  	s0 =	stileid.u32;
	[bflag:$0x2] =	sbarrier.arrive $0xFFFF  }
0x126: {  	p0 =	sne.s32 s0, $0x0;
	s0 =	rddreg [dreg:$0x2]  }
0x127: {  	s0 =	sadd.s32 @!p0 $0x100000, s0  }
0x128: {  	[sflag:s0] =	ssyncadd.tile.s32 @!p0 $0x1;
	_ =	shalt  }
.Lfunc_end2:
_tile_overlayer_lowered:
.L_overlay_start_2:
0x129: {  	(tag) =	ssettag $0x2  }
0x12a: {  	s0 =	rddreg [dreg:$0x0];
	s2 =	stileid.u32  }
0x12b: {  	s1 =	rddreg [dreg:$0x1];
	p0 =	sne.s32 s2, $0x0  }
0x12c: {  	s3 =	rddreg [dreg:$0x2];
	[bflag:$0x3] =	sbarrier.arrive $0xFFFF;
	s2 =	simm.s32 @!p0 $0x1C02  }
0x12d: {  	[timem:s3], [sflag:s2] =	dma.local @!p0 [hbm:s0], s1  }
0x12e: {  	s0 =	simm.s32 @!p0 $0x2  }
0x12f: {  	_ =	swait.ge @!p0 [sflag:s0], s1  }
0x130: {  	s1 =	ssub.s32 @!p0 $0x0, s1;
	[sflag:s0] =	ssyncset.done @!p0 $0x0  }
0x131: {  	[sflag:s0] =	ssyncadd.s32 @!p0 s1  }
0x132: {  	[bflag:$0x3] =	sbarrier.arrive $0xFFFF  }
0x133: {  	_ =	shalt  }

// kernel: kernel.8.cloned.1.call-start
scs
__scs_entry_jumppad:
0x0: {  	(pc) =	sbr.rel $0x88, $3  }
0x1: {  	(tag) =	ssettag $0x0;
	lr =	simm.s32 $0x1  }
0x2: {  	[smem:$0x3F91] =	sst lr;
	_ =	strace $0xD0000000  }
0x3: {  	_ = 	snop  }
0x4: {  	_ = 	snop  }
0x5: {  	_ = 	snop  }
0x6: {  	_ = 	snop  }
0x7: {  	_ = 	snop  }
__scs_overlays_trampoline_lowered:
0x8: {  	[smem:$0x3FA0] =	sst s0  }
0x9: {  	[smem:$0x3FA1] =	sst s1  }
0xa: {  	[smem:$0x3FA2] =	sst s2  }
0xb: {  	[smem:$0x3FA3] =	sst s3  }
0xc: {  	[smem:$0x3FA4] =	sst s4  }
0xd: {  	[smem:$0x3FA5] =	sst s5  }
0xe: {  	[smem:$0x3FA6] =	sst s6  }
0xf: {  	[smem:$0x3FA7] =	sst s7  }
0x10: {  	[smem:$0x3FA8] =	sst s8  }
0x11: {  	[smem:$0x3FA9] =	sst s9;
	s0 =	simm.s32 @!p0 $0x0  }
0x12: {  	s1 =	sld [smem:$0x3F8F];
	s0 =	simm.s32 @p0 $0x1  }
0x13: {  	[smem:$0x3FAA] =	sst s0;
	s0 =	simm.s32 @!p1 $0x0  }
0x14: {  	s2 =	sld [smem:$0x3F8E];
	s0 =	simm.s32 @p1 $0x1  }
0x15: {  	[smem:$0x3FAB] =	sst s0;
	s0 =	simm.s32 @!p2 $0x0  }
0x16: {  	s3 =	sld [smem:$0x3FDB];
	s0 =	simm.s32 @p2 $0x1  }
0x17: {  	s4 =	simm.s32 $0x1BF5;
	[smem:$0x3FAD] =	sst s0  }
0x18: {  	s0 =	sld [smem:$0x3F90];
	_ =	swait.ge [sflag:s4], $0x0  }
0x19: {  	s7 =	sld [smem:$0x3F91]  }
0x1a: {  	s8 =	sadd.s32 $0xFFFFE003, lr  }
0x1b: {  	s9 =	sadd.s32 $0xFFFFFEF7, lr;
	s5 =	simm.s32 $0xFFFFFFFF;
	p2 =	slt.u32 s8, $0xFFFFF086  }
0x1c: {  	p1 =	slt.u32 s9, $0xF7A;
	s5 =	simm.s32 @!p2 $0x0  }
0x1d: {  	s5 =	simm.s32 @p1 $0x1;
	p0 =	seq.s32 s7, s2  }
0x1e: {  	s7 =	smul.u32 @!p0 $0xF7A, s2;
	p2 =	seq.s32 @!p0 s5, $0x0  }
0x1f: {  	s9 =	smul.u32 $0xF7A, s1;
	s8 =	simm.s32 @!p0 $0x1BF5;
	p2 =	por !p2, p0  }
0x20: {  	[sflag:s8] =	ssyncset.s32 @!p0 $0xFFFFF086;
	s6 =	sadd.s32 @!p0 s3, s7;
	s7 =	simm.s32 @!p0 $0x108  }
0x21: {  	s3 =	sadd.s32 s3, s9;
	s6 =	sadd.s32 @!p0 $0x88, s6;
	s7 =	simm.s32 @p2 $0x1082  }
0x22: {  	[simem:s7], [sflag:s8] =	dma.local @!p0 [hbm:s6], $0xF7A  }
0x23: {  	s9 =	sor.u32 $0xD0000000, s2;
	s6 =	simm.s32 $0x108;
	_ =	swait.ge @!p0 [sflag:s8], $0x0  }
0x24: {  	s3 =	sadd.s32 $0x88, s3;
	s6 =	simm.s32 @!p1 $0x1082;
	[sflag:s4] =	ssyncset.s32 $0xFFFFF086  }
0x25: {  	[simem:s6], [sflag:s4] =	dma.local [hbm:s3], $0xF7A  }
0x26: {  	[smem:$0x3F91] =	sst s1;
	(tag) =	ssettag s2;
	_ =	strace s9  }
0x27: {  	s1 =	sld [smem:$0x3FA1]  }
0x28: {  	s2 =	sld [smem:$0x3FA2]  }
0x29: {  	s4 =	sld [smem:$0x3FA4]  }
0x2a: {  	p0 =	seq.s32 s5, $0x0;
	s5 =	sld [smem:$0x3FA5]  }
0x2b: {  	s6 =	sld [smem:$0x3FA6]  }
0x2c: {  	s7 =	sld [smem:$0x3FA7]  }
0x2d: {  	s3 =	simm.s32 $0x108;
	s8 =	sld [smem:$0x3FA8]  }
0x2e: {  	s3 =	simm.s32 @!p0 $0x1082;
	s9 =	sld [smem:$0x3FA9]  }
0x2f: {  	lr =	sadd.s32 s0, s3;
	s0 =	sld [smem:$0x3FA0]  }
0x30: {  	s3 =	sld [smem:$0x3FA3]  }
0x31: {  	[smem:$0x3FAC] =	sst s10  }
0x32: {  	s10 =	sld [smem:$0x3FAA];
	_ =	sdelay $0x3  }
0x33: {  	p0 =	seq.s32 s10, $0x1;
	s10 =	sld [smem:$0x3FAC];
	_ =	sdelay $0x3  }
0x34: {  	[smem:$0x3FAC] =	sst s10  }
0x35: {  	s10 =	sld [smem:$0x3FAB];
	_ =	sdelay $0x3  }
0x36: {  	p1 =	seq.s32 s10, $0x1;
	s10 =	sld [smem:$0x3FAC];
	_ =	sdelay $0x3  }
0x37: {  	[smem:$0x3FAC] =	sst s10  }
0x38: {  	s10 =	sld [smem:$0x3FAD]  }
0x39: {  	_ = 	snop;
	(pc) =	sbr.ind lr, $3  }
0x3a: {  	_ = 	snop  }
0x3b: {  	_ = 	snop  }
0x3c: {  	p2 =	seq.s32 s10, $0x1;
	s10 =	sld [smem:$0x3FAC]  }
0x3d: {  	_ =	shalt  }
0x3e: {  	_ =	shalt  }
0x3f: {  	_ =	shalt  }
0x40: {  	_ =	shalt  }
0x41: {  	_ =	shalt  }
0x42: {  	_ =	shalt  }
0x43: {  	_ =	shalt  }
0x44: {  	_ =	shalt  }
0x45: {  	_ =	shalt  }
0x46: {  	_ =	shalt  }
0x47: {  	_ =	shalt  }
0x48: {  	_ =	shalt  }
0x49: {  	_ =	shalt  }
0x4a: {  	_ =	shalt  }
0x4b: {  	_ =	shalt  }
0x4c: {  	_ =	shalt  }
0x4d: {  	_ =	shalt  }
0x4e: {  	_ =	shalt  }
0x4f: {  	_ =	shalt  }
0x50: {  	_ =	shalt  }
0x51: {  	_ =	shalt  }
0x52: {  	_ =	shalt  }
0x53: {  	_ =	shalt  }
0x54: {  	_ =	shalt  }
0x55: {  	_ =	shalt  }
0x56: {  	_ =	shalt  }
0x57: {  	_ =	shalt  }
0x58: {  	_ =	shalt  }
0x59: {  	_ =	shalt  }
0x5a: {  	_ =	shalt  }
0x5b: {  	_ =	shalt  }
0x5c: {  	_ =	shalt  }
0x5d: {  	_ =	shalt  }
0x5e: {  	_ =	shalt  }
0x5f: {  	_ =	shalt  }
0x60: {  	_ =	shalt  }
0x61: {  	_ =	shalt  }
0x62: {  	_ =	shalt  }
0x63: {  	_ =	shalt  }
0x64: {  	_ =	shalt  }
0x65: {  	_ =	shalt  }
0x66: {  	_ =	shalt  }
0x67: {  	_ =	shalt  }
0x68: {  	_ =	shalt  }
0x69: {  	_ =	shalt  }
0x6a: {  	_ =	shalt  }
0x6b: {  	_ =	shalt  }
0x6c: {  	_ =	shalt  }
0x6d: {  	_ =	shalt  }
0x6e: {  	_ =	shalt  }
0x6f: {  	_ =	shalt  }
0x70: {  	_ =	shalt  }
0x71: {  	_ =	shalt  }
0x72: {  	_ =	shalt  }
0x73: {  	_ =	shalt  }
0x74: {  	_ =	shalt  }
0x75: {  	_ =	shalt  }
0x76: {  	_ =	shalt  }
0x77: {  	_ =	shalt  }
0x78: {  	_ =	shalt  }
0x79: {  	_ =	shalt  }
0x7a: {  	_ =	shalt  }
0x7b: {  	_ =	shalt  }
0x7c: {  	_ =	shalt  }
0x7d: {  	_ =	shalt  }
0x7e: {  	_ =	shalt  }
0x7f: {  	_ =	shalt  }
0x80: {  	_ =	shalt  }
0x81: {  	_ =	shalt  }
0x82: {  	_ =	shalt  }
0x83: {  	_ =	shalt  }
0x84: {  	_ =	shalt  }
0x85: {  	_ =	shalt  }
0x86: {  	_ =	shalt  }
0x87: {  	_ =	shalt  }
.Lfunc_end0:
.L_simem_size_0:
called_computation_lowered:
.L_overlay_start_0:
0x88: {  	s2 =	sld [smem:$0x3FD9]  }
0x89: {  	s3 =	sld [smem:$0x3FFE];
	_ =	sdelay $0x1  }
0x8a: {  	s1 =	srdreg.scid  }
0x8b: {  	s0 =	sand.u32 $0x1, s1  }
0x8c: {  	s17 =	sshll.u32 s0, $0xA;
	s2 =	sadd.s32 s3, s2  }
0x8d: {  	s2 =	sadd.s32 s2, s17  }
0x8e: {  	[smem:$0x3FB8] =	sst s2  }
0x8f: {  	_ = 	snop  }
0x90: {  	s2 =	sld [smem:$0x3FC9]  }
0x91: {  	s18 =	sld [smem:$0x3FC8]  }
0x92: {  	s4 =	sld [smem:$0x3FD0];
	(tm) =	ssettm $0x1  }
0x93: {  	s5 =	sld [smem:$0x3FFB];
	_ =	sdelay $0x3  }
0x94: {  	_ =	strace s5  }
0x95: {  	s5 =	sld [smem:$0x3FFC];
	_ =	sdelay $0x3  }
0x96: {  	_ =	strace s5  }
0x97: {  	s5 =	sld [smem:$0x3FFD];
	_ =	sdelay $0x3  }
0x98: {  	_ =	strace s5  }
0x99: {  	_ =	strace $0x8FFFFFFF  }
0x9a: {  	s19 =	sld [smem:$0x3FDB];
	_ =	sdelay $0x1  }
0x9b: {  	s6 =	simm.s32 $_scs_section_size  }
0x9c: {  	s7 =	simm.s32 $_size__tile_overlayer_lowered;
	s8 =	simm.s32 $_tile_overlayer_lowered  }
0x9d: {  	s22 =	simm.s32 $0x1BFF;
	s21 =	sshll.u32 s8, $0x1;
	s5 =	sadd.s32 s6, s19  }
0x9e: {  	s9 =	simm.s32 $0x0;
	s20 =	sshll.u32 s7, $0x1;
	s7 =	sadd.s32 s21, s5  }
0x9f: {  	[timem:s9], [sflag:s22] =	dma.local [hbm:s7], s20  }
0xa0: {  	_ =	swait.ge [sflag:s22], s20  }
0xa1: {  	s6 =	ssub.s32 $0x0, s20;
	[sflag:s22] =	ssyncset.done $0x0  }
0xa2: {  	[sflag:s22] =	ssyncadd.s32 s6;
	_ =	sdelay $0x1  }
0xa3: {  	s23 =	simm.s32 $0x1B8B  }
0xa4: {  	_ =	swait.ge [sflag:s23], $0x1  }
0xa5: {  	[sflag:s23] =	ssyncset.done $0x0  }
0xa6: {  	s25 =	simm.s32 $0x1B8E;
	s24 =	sld [smem:$0x3FFE];
	[sflag:s23] =	ssyncadd.s32 $0xFFFFFFFF  }
0xa7: {  	s26 =	simm.s32 $execute0_lowered;
	[smem:$0x3FD2] =	sst s25  }
0xa8: {  	s7 =	sshll.u32 s26, $0x1;
	_ =	strace $0x80000046;
	[dreg:$0x1] =	wrdreg $0xFFFFFFFF  }
0xa9: {  	s28 =	simm.s32 $_size_execute0_lowered;
	s5 =	sadd.s32 s5, s7;
	[dreg:$0x0] =	wrdreg $0x0  }
0xaa: {  	s7 =	sshll.u32 s28, $0x1;
	[dreg:$0x2] =	wrdreg s5  }
0xab: {  	[dreg:$0x3] =	wrdreg s7  }
0xac: {  	[dreg:$0x4] =	wrdreg $0xC0  }
0xad: {  	_ =	task [dreg:s9], $0x5FFFF  }
0xae: {  	[dreg:$0x1] =	wrdreg $0xFFFFFFFF  }
0xaf: {  	[dreg:$0x0] =	wrdreg $0x60  }
0xb0: {  	[dreg:$0x2] =	wrdreg s2  }
0xb1: {  	[dreg:$0x3] =	wrdreg s24  }
0xb2: {  	[dreg:$0x4] =	wrdreg s18  }
0xb3: {  	[dreg:$0x5] =	wrdreg s4  }
0xb4: {  	[dreg:$0x6] =	wrdreg $0x9  }
0xb5: {  	_ =	task.clear_ibuf [dreg:s9], $0x7FFFF;
	_ =	strace $0x90000046  }
0xb6: {  	s29 =	simm.s32 $0x9;
	_ =	strace $0x80000048  }
0xb7: {  	_ =	swait.ge [sflag:s29], $0x1  }
0xb8: {  	[sflag:s29] =	ssyncadd.s32 $0xFFFFFFFF  }
0xb9: {  	_ =	strace $0x90000048  }
0xba: {  	_ =	sfence  }
0xbb: {  	s30 =	sld [smem:$0x0];
	_ =	sdelay $0x2  }
0xbc: {  	s31 =	sshll.u32 s1, $0xD;
	s1 =	sshrl.u32 s1, $0x2  }
0xbd: {  	s3 =	sand.u32 $0x4000, s31;
	s1 =	sadd.s32 s1, s30  }
0xbe: {  	s0 =	sor.u32 s3, s0;
	s1 =	sshll.u32 s1, $0x11  }
0xbf: {  	s0 =	sor.u32 s1, s0  }
0xc0: {  	s0 =	sadd.s32 $0x8F2B, s0  }
0xc1: {  	[sflag:s0] =	ssyncadd.remote.s32 $0x1  }
0xc2: {  	_ =	sfence.sel $0xFFFF  }
0xc3: {  	[dreg:$0x0] =	wrdreg $0xFFFFFFFF;
	(pc) =	sbr.abs _section_cstart, $3  }
0xc4: {  	[dreg:$0x1] =	wrdreg $0xFFFFFFFF  }
0xc5: {  	_ =	task.clear_ibuf [dreg:s9], $0x2FFFF;
	_ =	strace $0x9FFFFFFF  }
0xc6: {  	(tm) =	ssettm $0x7FFFFFFF  }
0xc7: {  	_ =	shalt  }
tec
execute0_lowered:
.L_overlay_start_1:
0x0: {  	(tag) =	ssettag $0x1  }
0x1: {  	s1 =	rddreg [dreg:$0x0]  }
0x2: {  	s4 =	rddreg [dreg:$0x1]  }
0x3: {  	s3 =	srdreg.scid;
	s2 =	rddreg [dreg:$0x2]  }
0x4: {  	s0 =	stileid.u32;
	s6 =	rddreg [dreg:$0x3]  }
0x5: {  	s15 =	simm.s32 $0x8900;
	s5 =	sand.u32 $0x1, s3;
	s3 =	simm.s32 $0x0  }
0x6: {  	s16 =	simm.s32 $0x9100;
	s17 =	simm.s32 $0x9900;
	[smem:$0x7FF] =	sst s3  }
0x7: {  	s18 =	simm.s32 $0xA100;
	_ =	strace $0x80000047;
	[dreg:$0x8] =	wrdreg s15  }
0x8: {  	s19 =	simm.s32 $0xA900;
	s21 =	simm.s32 $0xB100;
	[dreg:$0x9] =	wrdreg s16  }
0x9: {  	s22 =	simm.s32 $0xB900;
	s23 =	simm.s32 $0xC100;
	[dreg:$0xa] =	wrdreg s17  }
0xa: {  	s24 =	simm.s32 $0xC900;
	s25 =	simm.s32 $0xD100;
	[dreg:$0xb] =	wrdreg s18  }
0xb: {  	s26 =	simm.s32 $0xD900;
	s11 =	simm.s32 $0xE900;
	[dreg:$0xc] =	wrdreg s19  }
0xc: {  	s12 =	simm.s32 $0xF100;
	s28 =	simm.s32 $0x16100;
	[dreg:$0xd] =	wrdreg s21  }
0xd: {  	s29 =	simm.s32 $0x16900;
	s30 =	simm.s32 $0x17100;
	[dreg:$0xe] =	wrdreg s22  }
0xe: {  	s31 =	simm.s32 $0x17900;
	s7 =	sshll.u32 s0, $0x9;
	[dreg:$0xf] =	wrdreg s23  }
0xf: {  	s8 =	sshll.u32 s5, $0x8;
	s5 =	ssub.s32 $0x2, s5;
	[dreg:$0x10] =	wrdreg s24  }
0x10: {  	s7 =	sor.u32 s8, s7;
	s20 =	sshrl.u32 s5, $0x1;
	[dreg:$0x11] =	wrdreg s25  }
0x11: {  	[dreg:$0x12] =	wrdreg s26;
	s15 =	simm.s32 $0x10100;
	s16 =	simm.s32 $0x10900  }
0x12: {  	s17 =	simm.s32 $0x11100;
	s18 =	simm.s32 $0x11900;
	s19 =	simm.s32 $0x12100  }
0x13: {  	s21 =	simm.s32 $0x13100;
	s22 =	simm.s32 $0x13900;
	s23 =	simm.s32 $0x14100  }
0x14: {  	s24 =	simm.s32 $0x14900;
	s25 =	simm.s32 $0x15100;
	s26 =	simm.s32 $0x15900  }
0x15: {  	s8 =	sshll.u32 s7, $0x4;
	s9 =	sshrl.u32 s7, $0x3;
	s7 =	sshll.u32 s7, $0x5  }
0x16: {  	s5 =	ssub.s32 s5, s20;
	s20 =	simm.s32 $0x12900;
	s8 =	sadd.s32 s8, s4  }
0x17: {  	s1 =	sadd.s32 s1, s9;
	s14 =	sadd.s32 s6, s7;
	s4 =	sadd.s32 $0x18B800, s4  }
0x18: {  	s5 =	smax.u32 s5, $0x1;
	s6 =	simm.s32 $0x2;
	s7 =	simm.s32 $0x80  }
0x19: {  	v2 =	vlaneseq.u32;
	s9 =	simm.s32 $0x8100;
	[dreg:$0x5] =	wrdreg s1;
	s13 =	sadd.s32 $0x4C00, s8  }
0x1a: {  	vm0 =	vmmov $0xffff;
	v1 =	vshrl.u32 v2, $0x3;
	[dreg:$0x7] =	wrdreg s14;
	s8 =	simm.s32 $0x100;
	s14 =	simm.s32 $0x4100  }
0x1b: {  	v0 =	vand.u32 $0x7, v2;
	v2 =	vor.u32 $0x8, v2;
	v1 =	vmul.u32 $0x8, v1;
	s1 =	simm.s32 $0x1;
	[dreg:$0x6] =	wrdreg s13;
	s13 =	simm.s32 $0xF900  }
.LBB2_1:
0x1c: {  	s0 =	rddreg [dreg:$0x5]  }
0x1d: {  	[tilespmem:s3], [sflag:$0x2] =	stream.linear.gather [hbm4b:s0+s3], $0x100, $0x38;
	[tilespmem:$0x18100] =	vst v63  }
0x1e: {  	_ =	swait.ge [sflag:s6], $0x100  }
0x1f: {  	[sflag:s6] =	ssyncset.done $0x0  }
0x20: {  	[sflag:s6] =	ssyncadd.s32 $0xFFFFFF00  }
0x21: {  	[tilespmem:s8], [sflag:$0x1] =	stream.indirect.gather [hbm4b:s4+s7], $0x80, s3, s7, $0xb8;
	[tilespmem:$0x18100] =	vst v63  }
0x22: {  	v3 =	vld [tilespmem:$0x0];
	_ =	sdelay $0x4  }
0x23: {  	v4 =	vshll.u32 v3, $0x1  }
0x24: {  	v3 =	vand.u32 $0x7, v3;
	v4 =	vand.u32 $0xFFFFFFF0, v4  }
0x25: {  	v3 =	vor.u32 v3, v4  }
0x26: {  	v4 =	vperm.xlane v3, v0;
	_ =	sdelay $0x1  }
0x27: {  	v3 =	vperm.xlane v3, v2;
	v4 =	vadd.s32 v1, v4;
	_ =	sdelay $0x1  }
0x28: {  	v3 =	vadd.s32 v1, v3;
	_ =	sdelay $0x2  }
0x29: {  	[tilespmem:s9], [sflag:$0x1] =	stream.indirect_vreg.gather [hbm4b:s2+s3], $0x80, v4, vm0, $0xb8;
	[tilespmem:$0x18100] =	vst v63  }
0x2a: {  	s10 =	rddreg [dreg:$0x8]  }
0x2b: {  	[tilespmem:s10], [sflag:$0x1] =	stream.indirect_vreg.gather [hbm4b:s2+s3], $0x80, v3, vm0, $0xb8;
	[tilespmem:$0x18100] =	vst v63  }
0x2c: {  	v3 =	vld [tilespmem:$0x10];
	_ =	sdelay $0x4  }
0x2d: {  	v49 =	vshll.u32 v3, $0x1  }
0x2e: {  	v3 =	vand.u32 $0x7, v3;
	v4 =	vand.u32 $0xFFFFFFF0, v49  }
0x2f: {  	v3 =	vor.u32 v3, v4  }
0x30: {  	v4 =	vperm.xlane v3, v0;
	_ =	sdelay $0x1  }
0x31: {  	v3 =	vperm.xlane v3, v2;
	v4 =	vadd.s32 v1, v4;
	_ =	sdelay $0x1  }
0x32: {  	v3 =	vadd.s32 v1, v3;
	_ =	sdelay $0x1  }
0x33: {  	s0 =	rddreg [dreg:$0x9]  }
0x34: {  	[tilespmem:s0], [sflag:$0x1] =	stream.indirect_vreg.gather [hbm4b:s2+s3], $0x80, v4, vm0, $0xb8;
	[tilespmem:$0x18100] =	vst v63  }
0x35: {  	s10 =	rddreg [dreg:$0xa]  }
0x36: {  	[tilespmem:s10], [sflag:$0x1] =	stream.indirect_vreg.gather [hbm4b:s2+s3], $0x80, v3, vm0, $0xb8;
	[tilespmem:$0x18100] =	vst v63  }
0x37: {  	v3 =	vld [tilespmem:$0x20];
	_ =	sdelay $0x4  }
0x38: {  	v50 =	vshll.u32 v3, $0x1  }
0x39: {  	v3 =	vand.u32 $0x7, v3;
	v4 =	vand.u32 $0xFFFFFFF0, v50  }
0x3a: {  	v3 =	vor.u32 v3, v4  }
0x3b: {  	v4 =	vperm.xlane v3, v0;
	_ =	sdelay $0x1  }
0x3c: {  	v3 =	vperm.xlane v3, v2;
	v4 =	vadd.s32 v1, v4;
	_ =	sdelay $0x1  }
0x3d: {  	v3 =	vadd.s32 v1, v3;
	_ =	sdelay $0x1  }
0x3e: {  	s0 =	rddreg [dreg:$0xb]  }
0x3f: {  	[tilespmem:s0], [sflag:$0x1] =	stream.indirect_vreg.gather [hbm4b:s2+s3], $0x80, v4, vm0, $0xb8;
	[tilespmem:$0x18100] =	vst v63  }
0x40: {  	s10 =	rddreg [dreg:$0xc]  }
0x41: {  	[tilespmem:s10], [sflag:$0x1] =	stream.indirect_vreg.gather [hbm4b:s2+s3], $0x80, v3, vm0, $0xb8;
	[tilespmem:$0x18100] =	vst v63  }
0x42: {  	v3 =	vld [tilespmem:$0x30];
	_ =	sdelay $0x4  }
0x43: {  	v51 =	vshll.u32 v3, $0x1  }
0x44: {  	v3 =	vand.u32 $0x7, v3;
	v4 =	vand.u32 $0xFFFFFFF0, v51  }
0x45: {  	v3 =	vor.u32 v3, v4  }
0x46: {  	v4 =	vperm.xlane v3, v0;
	_ =	sdelay $0x1  }
0x47: {  	v3 =	vperm.xlane v3, v2;
	v4 =	vadd.s32 v1, v4;
	_ =	sdelay $0x1  }
0x48: {  	v3 =	vadd.s32 v1, v3;
	_ =	sdelay $0x1  }
0x49: {  	s0 =	rddreg [dreg:$0xd]  }
0x4a: {  	[tilespmem:s0], [sflag:$0x1] =	stream.indirect_vreg.gather [hbm4b:s2+s3], $0x80, v4, vm0, $0xb8;
	[tilespmem:$0x18100] =	vst v63  }
0x4b: {  	s10 =	rddreg [dreg:$0xe]  }
0x4c: {  	[tilespmem:s10], [sflag:$0x1] =	stream.indirect_vreg.gather [hbm4b:s2+s3], $0x80, v3, vm0, $0xb8;
	[tilespmem:$0x18100] =	vst v63  }
0x4d: {  	v3 =	vld [tilespmem:$0x40];
	_ =	sdelay $0x4  }
0x4e: {  	v52 =	vshll.u32 v3, $0x1  }
0x4f: {  	v3 =	vand.u32 $0x7, v3;
	v4 =	vand.u32 $0xFFFFFFF0, v52  }
0x50: {  	v3 =	vor.u32 v3, v4  }
0x51: {  	v4 =	vperm.xlane v3, v0;
	_ =	sdelay $0x1  }
0x52: {  	v3 =	vperm.xlane v3, v2;
	v4 =	vadd.s32 v1, v4;
	_ =	sdelay $0x1  }
0x53: {  	v3 =	vadd.s32 v1, v3;
	_ =	sdelay $0x1  }
0x54: {  	s0 =	rddreg [dreg:$0xf]  }
0x55: {  	[tilespmem:s0], [sflag:$0x1] =	stream.indirect_vreg.gather [hbm4b:s2+s3], $0x80, v4, vm0, $0xb8;
	[tilespmem:$0x18100] =	vst v63  }
0x56: {  	s10 =	rddreg [dreg:$0x10]  }
0x57: {  	[tilespmem:s10], [sflag:$0x1] =	stream.indirect_vreg.gather [hbm4b:s2+s3], $0x80, v3, vm0, $0xb8;
	[tilespmem:$0x18100] =	vst v63  }
0x58: {  	v3 =	vld [tilespmem:$0x50];
	_ =	sdelay $0x4  }
0x59: {  	v53 =	vshll.u32 v3, $0x1  }
0x5a: {  	v3 =	vand.u32 $0x7, v3;
	v4 =	vand.u32 $0xFFFFFFF0, v53  }
0x5b: {  	v3 =	vor.u32 v3, v4  }
0x5c: {  	v4 =	vperm.xlane v3, v0;
	_ =	sdelay $0x1  }
0x5d: {  	v3 =	vperm.xlane v3, v2;
	v4 =	vadd.s32 v1, v4;
	_ =	sdelay $0x1  }
0x5e: {  	v3 =	vadd.s32 v1, v3;
	_ =	sdelay $0x1  }
0x5f: {  	s0 =	rddreg [dreg:$0x11]  }
0x60: {  	[tilespmem:s0], [sflag:$0x1] =	stream.indirect_vreg.gather [hbm4b:s2+s3], $0x80, v4, vm0, $0xb8;
	[tilespmem:$0x18100] =	vst v63  }
0x61: {  	s10 =	rddreg [dreg:$0x12]  }
0x62: {  	[tilespmem:s10], [sflag:$0x1] =	stream.indirect_vreg.gather [hbm4b:s2+s3], $0x80, v3, vm0, $0xb8;
	[tilespmem:$0x18100] =	vst v63  }
0x63: {  	v3 =	vld [tilespmem:$0x60];
	_ =	sdelay $0x4  }
0x64: {  	v54 =	vshll.u32 v3, $0x1  }
0x65: {  	v3 =	vand.u32 $0x7, v3;
	v4 =	vand.u32 $0xFFFFFFF0, v54  }
0x66: {  	v3 =	vor.u32 v3, v4  }
0x67: {  	v4 =	vperm.xlane v3, v0;
	_ =	sdelay $0x1  }
0x68: {  	v3 =	vperm.xlane v3, v2;
	v4 =	vadd.s32 v1, v4;
	_ =	sdelay $0x1  }
0x69: {  	v3 =	vadd.s32 v1, v3;
	_ =	sdelay $0x1  }
0x6a: {  	s10 =	simm.s32 $0xE100  }
0x6b: {  	[tilespmem:s10], [sflag:$0x1] =	stream.indirect_vreg.gather [hbm4b:s2+s3], $0x80, v4, vm0, $0xb8;
	[tilespmem:$0x18100] =	vst v63  }
0x6c: {  	_ = 	snop  }
0x6d: {  	[tilespmem:s11], [sflag:$0x1] =	stream.indirect_vreg.gather [hbm4b:s2+s3], $0x80, v3, vm0, $0xb8;
	[tilespmem:$0x18100] =	vst v63  }
0x6e: {  	v3 =	vld [tilespmem:$0x70];
	_ =	sdelay $0x4  }
0x6f: {  	v55 =	vshll.u32 v3, $0x1  }
0x70: {  	v3 =	vand.u32 $0x7, v3;
	v4 =	vand.u32 $0xFFFFFFF0, v55  }
0x71: {  	v3 =	vor.u32 v3, v4  }
0x72: {  	v4 =	vperm.xlane v3, v0;
	_ =	sdelay $0x1  }
0x73: {  	v3 =	vperm.xlane v3, v2;
	v4 =	vadd.s32 v1, v4;
	_ =	sdelay $0x1  }
0x74: {  	v3 =	vadd.s32 v1, v3;
	_ =	sdelay $0x2  }
0x75: {  	[tilespmem:s12], [sflag:$0x1] =	stream.indirect_vreg.gather [hbm4b:s2+s3], $0x80, v4, vm0, $0xb8;
	[tilespmem:$0x18100] =	vst v63  }
0x76: {  	_ = 	snop  }
0x77: {  	[tilespmem:s13], [sflag:$0x1] =	stream.indirect_vreg.gather [hbm4b:s2+s3], $0x80, v3, vm0, $0xb8;
	[tilespmem:$0x18100] =	vst v63  }
0x78: {  	_ = 	snop  }
0x79: {  	[tilespmem:s14], [sflag:$0x1] =	stream.indirect.gather [hbm4b:s4+s7], $0x80, s7, s7, $0xb8;
	[tilespmem:$0x18100] =	vst v63  }
0x7a: {  	v3 =	vld [tilespmem:$0x80];
	_ =	sdelay $0x4  }
0x7b: {  	v56 =	vshll.u32 v3, $0x1  }
0x7c: {  	v3 =	vand.u32 $0x7, v3;
	v4 =	vand.u32 $0xFFFFFFF0, v56  }
0x7d: {  	v3 =	vor.u32 v3, v4  }
0x7e: {  	v4 =	vperm.xlane v3, v0;
	_ =	sdelay $0x1  }
0x7f: {  	v3 =	vperm.xlane v3, v2;
	v4 =	vadd.s32 v1, v4;
	_ =	sdelay $0x1  }
0x80: {  	v3 =	vadd.s32 v1, v3;
	_ =	sdelay $0x2  }
0x81: {  	[tilespmem:s15], [sflag:$0x1] =	stream.indirect_vreg.gather [hbm4b:s2+s3], $0x80, v4, vm0, $0xb8;
	[tilespmem:$0x18100] =	vst v63  }
0x82: {  	_ = 	snop  }
0x83: {  	[tilespmem:s16], [sflag:$0x1] =	stream.indirect_vreg.gather [hbm4b:s2+s3], $0x80, v3, vm0, $0xb8;
	[tilespmem:$0x18100] =	vst v63  }
0x84: {  	v3 =	vld [tilespmem:$0x90];
	_ =	sdelay $0x4  }
0x85: {  	v57 =	vshll.u32 v3, $0x1  }
0x86: {  	v3 =	vand.u32 $0x7, v3;
	v4 =	vand.u32 $0xFFFFFFF0, v57  }
0x87: {  	v3 =	vor.u32 v3, v4  }
0x88: {  	v4 =	vperm.xlane v3, v0;
	_ =	sdelay $0x1  }
0x89: {  	v3 =	vperm.xlane v3, v2;
	v4 =	vadd.s32 v1, v4;
	_ =	sdelay $0x1  }
0x8a: {  	v3 =	vadd.s32 v1, v3;
	_ =	sdelay $0x2  }
0x8b: {  	[tilespmem:s17], [sflag:$0x1] =	stream.indirect_vreg.gather [hbm4b:s2+s3], $0x80, v4, vm0, $0xb8;
	[tilespmem:$0x18100] =	vst v63  }
0x8c: {  	_ = 	snop  }
0x8d: {  	[tilespmem:s18], [sflag:$0x1] =	stream.indirect_vreg.gather [hbm4b:s2+s3], $0x80, v3, vm0, $0xb8;
	[tilespmem:$0x18100] =	vst v63  }
0x8e: {  	v3 =	vld [tilespmem:$0xA0];
	_ =	sdelay $0x4  }
0x8f: {  	v58 =	vshll.u32 v3, $0x1  }
0x90: {  	v3 =	vand.u32 $0x7, v3;
	v4 =	vand.u32 $0xFFFFFFF0, v58  }
0x91: {  	v3 =	vor.u32 v3, v4  }
0x92: {  	v4 =	vperm.xlane v3, v0;
	_ =	sdelay $0x1  }
0x93: {  	v3 =	vperm.xlane v3, v2;
	v4 =	vadd.s32 v1, v4;
	_ =	sdelay $0x1  }
0x94: {  	v3 =	vadd.s32 v1, v3;
	_ =	sdelay $0x2  }
0x95: {  	[tilespmem:s19], [sflag:$0x1] =	stream.indirect_vreg.gather [hbm4b:s2+s3], $0x80, v4, vm0, $0xb8;
	[tilespmem:$0x18100] =	vst v63  }
0x96: {  	_ = 	snop  }
0x97: {  	[tilespmem:s20], [sflag:$0x1] =	stream.indirect_vreg.gather [hbm4b:s2+s3], $0x80, v3, vm0, $0xb8;
	[tilespmem:$0x18100] =	vst v63  }
0x98: {  	v3 =	vld [tilespmem:$0xB0];
	_ =	sdelay $0x4  }
0x99: {  	v59 =	vshll.u32 v3, $0x1  }
0x9a: {  	v3 =	vand.u32 $0x7, v3;
	v4 =	vand.u32 $0xFFFFFFF0, v59  }
0x9b: {  	v3 =	vor.u32 v3, v4  }
0x9c: {  	v4 =	vperm.xlane v3, v0;
	_ =	sdelay $0x1  }
0x9d: {  	v3 =	vperm.xlane v3, v2;
	v4 =	vadd.s32 v1, v4;
	_ =	sdelay $0x1  }
0x9e: {  	v3 =	vadd.s32 v1, v3;
	_ =	sdelay $0x2  }
0x9f: {  	[tilespmem:s21], [sflag:$0x1] =	stream.indirect_vreg.gather [hbm4b:s2+s3], $0x80, v4, vm0, $0xb8;
	[tilespmem:$0x18100] =	vst v63  }
0xa0: {  	_ = 	snop  }
0xa1: {  	[tilespmem:s22], [sflag:$0x1] =	stream.indirect_vreg.gather [hbm4b:s2+s3], $0x80, v3, vm0, $0xb8;
	[tilespmem:$0x18100] =	vst v63  }
0xa2: {  	v3 =	vld [tilespmem:$0xC0];
	_ =	sdelay $0x4  }
0xa3: {  	v60 =	vshll.u32 v3, $0x1  }
0xa4: {  	v3 =	vand.u32 $0x7, v3;
	v4 =	vand.u32 $0xFFFFFFF0, v60  }
0xa5: {  	v3 =	vor.u32 v3, v4  }
0xa6: {  	v4 =	vperm.xlane v3, v0;
	_ =	sdelay $0x1  }
0xa7: {  	v3 =	vperm.xlane v3, v2;
	v4 =	vadd.s32 v1, v4;
	_ =	sdelay $0x1  }
0xa8: {  	v3 =	vadd.s32 v1, v3;
	_ =	sdelay $0x2  }
0xa9: {  	[tilespmem:s23], [sflag:$0x1] =	stream.indirect_vreg.gather [hbm4b:s2+s3], $0x80, v4, vm0, $0xb8;
	[tilespmem:$0x18100] =	vst v63  }
0xaa: {  	_ = 	snop  }
0xab: {  	[tilespmem:s24], [sflag:$0x1] =	stream.indirect_vreg.gather [hbm4b:s2+s3], $0x80, v3, vm0, $0xb8;
	[tilespmem:$0x18100] =	vst v63  }
0xac: {  	v3 =	vld [tilespmem:$0xD0];
	_ =	sdelay $0x4  }
0xad: {  	v61 =	vshll.u32 v3, $0x1  }
0xae: {  	v3 =	vand.u32 $0x7, v3;
	v4 =	vand.u32 $0xFFFFFFF0, v61  }
0xaf: {  	v3 =	vor.u32 v3, v4  }
0xb0: {  	v4 =	vperm.xlane v3, v0;
	_ =	sdelay $0x1  }
0xb1: {  	v3 =	vperm.xlane v3, v2;
	v4 =	vadd.s32 v1, v4;
	_ =	sdelay $0x1  }
0xb2: {  	v3 =	vadd.s32 v1, v3;
	_ =	sdelay $0x2  }
0xb3: {  	[tilespmem:s25], [sflag:$0x1] =	stream.indirect_vreg.gather [hbm4b:s2+s3], $0x80, v4, vm0, $0xb8;
	[tilespmem:$0x18100] =	vst v63  }
0xb4: {  	_ = 	snop  }
0xb5: {  	[tilespmem:s26], [sflag:$0x1] =	stream.indirect_vreg.gather [hbm4b:s2+s3], $0x80, v3, vm0, $0xb8;
	[tilespmem:$0x18100] =	vst v63  }
0xb6: {  	v3 =	vld [tilespmem:$0xE0];
	_ =	sdelay $0x4  }
0xb7: {  	v62 =	vshll.u32 v3, $0x1  }
0xb8: {  	v3 =	vand.u32 $0x7, v3;
	v4 =	vand.u32 $0xFFFFFFF0, v62  }
0xb9: {  	v3 =	vor.u32 v3, v4  }
0xba: {  	v4 =	vperm.xlane v3, v0;
	_ =	sdelay $0x1  }
0xbb: {  	v3 =	vperm.xlane v3, v2;
	v4 =	vadd.s32 v1, v4;
	_ =	sdelay $0x1  }
0xbc: {  	v3 =	vadd.s32 v1, v3;
	_ =	sdelay $0x2  }
0xbd: {  	[tilespmem:s28], [sflag:$0x1] =	stream.indirect_vreg.gather [hbm4b:s2+s3], $0x80, v4, vm0, $0xb8;
	[tilespmem:$0x18100] =	vst v63  }
0xbe: {  	_ = 	snop  }
0xbf: {  	[tilespmem:s29], [sflag:$0x1] =	stream.indirect_vreg.gather [hbm4b:s2+s3], $0x80, v3, vm0, $0xb8;
	[tilespmem:$0x18100] =	vst v63  }
0xc0: {  	v3 =	vld [tilespmem:$0xF0];
	_ =	sdelay $0x4  }
0xc1: {  	v63 =	vshll.u32 v3, $0x1  }
0xc2: {  	v3 =	vand.u32 $0x7, v3;
	v4 =	vand.u32 $0xFFFFFFF0, v63  }
0xc3: {  	v3 =	vor.u32 v3, v4  }
0xc4: {  	v4 =	vperm.xlane v3, v0;
	_ =	sdelay $0x1  }
0xc5: {  	v3 =	vperm.xlane v3, v2;
	v4 =	vadd.s32 v1, v4;
	_ =	sdelay $0x1  }
0xc6: {  	v3 =	vadd.s32 v1, v3;
	_ =	sdelay $0x2  }
0xc7: {  	[tilespmem:s30], [sflag:$0x1] =	stream.indirect_vreg.gather [hbm4b:s2+s3], $0x80, v4, vm0, $0xb8;
	[tilespmem:$0x18100] =	vst v63  }
0xc8: {  	_ = 	snop  }
0xc9: {  	[tilespmem:s31], [sflag:$0x1] =	stream.indirect_vreg.gather [hbm4b:s2+s3], $0x80, v3, vm0, $0xb8;
	[tilespmem:$0x18100] =	vst v63  }
0xca: {  	_ =	swait.ge [sflag:s1], $0x4000  }
0xcb: {  	[sflag:s1] =	ssyncset.done $0x0  }
0xcc: {  	[sflag:s1] =	ssyncadd.s32 $0xFFFFC000  }
0xcd: {  	_ =	swait.ge [sflag:s1], $0x8000  }
0xce: {  	[sflag:s1] =	ssyncset.done $0x0  }
0xcf: {  	[sflag:s1] =	ssyncadd.s32 $0xFFFF8000  }
0xd0: {  	_ =	swait.ge [sflag:s1], $0x4000  }
0xd1: {  	[sflag:s1] =	ssyncset.done $0x0  }
0xd2: {  	[sflag:s1] =	ssyncadd.s32 $0xFFFFC000  }
0xd3: {  	_ =	swait.ge [sflag:s1], $0x8000  }
0xd4: {  	[sflag:s1] =	ssyncset.done $0x0  }
0xd5: {  	s10 =	rddreg [dreg:$0x6];
	[sflag:s1] =	ssyncadd.s32 $0xFFFF8000  }
0xd6: {  	[hbm4b:s10+s3] =	stream.linear.scatter [tilespmem:s8], [sflag:$0x2], $0x8000, $0x38;
	[tilespmem:$0x18100] =	vst v63  }
0xd7: {  	_ =	swait.ge [sflag:s6], $0x8000  }
0xd8: {  	p0 =	sne.s32 s5, $0x1;
	[sflag:s6] =	ssyncset.done $0x0  }
.Ltmp0:
0xd9: {  	s10 =	rddreg [dreg:$0x7];
	[sflag:s6] =	ssyncadd.s32 $0xFFFF8000;
	(pc) =	sbr.rel @p0 .LBB2_1-.Ltmp0, $4  }
0xda: {  	[hbm4b:s10+s3] =	stream.linear.scatter [tilespmem:s9], [sflag:$0x2], $0x10000, $0x38;
	[tilespmem:$0x18100] =	vst v63  }
0xdb: {  	_ =	swait.ge [sflag:s6], $0x10000  }
0xdc: {  	[sflag:s6] =	ssyncset.done $0x0  }
0xdd: {  	s5 =	sadd.s32 $0xFFFFFFFF, s5;
	[sflag:s6] =	ssyncadd.s32 $0xFFFF0000  }
0xde: {  	_ =	sfence.sel $0x180000  }
0xdf: {  	[bflag:$0x0] =	sbarrier.arrive $0xFFFF  }
0xe0: {  	_ =	strace $0x90000047  }
0xe1: {  	s0 =	stileid.u32;
	[bflag:$0x2] =	sbarrier.arrive $0xFFFF  }
0xe2: {  	p0 =	sne.s32 s0, $0x0;
	s0 =	rddreg [dreg:$0x4]  }
0xe3: {  	s0 =	sadd.s32 @!p0 $0x100000, s0  }
0xe4: {  	[sflag:s0] =	ssyncadd.tile.s32 @!p0 $0x1;
	_ =	shalt  }
.Lfunc_end2:
_tile_overlayer_lowered:
.L_overlay_start_2:
0xe5: {  	(tag) =	ssettag $0x2  }
0xe6: {  	s0 =	rddreg [dreg:$0x0];
	s2 =	stileid.u32  }
0xe7: {  	s1 =	rddreg [dreg:$0x1];
	p0 =	sne.s32 s2, $0x0  }
0xe8: {  	s3 =	rddreg [dreg:$0x2];
	[bflag:$0x3] =	sbarrier.arrive $0xFFFF;
	s2 =	simm.s32 @!p0 $0x1C02  }
0xe9: {  	[timem:s3], [sflag:s2] =	dma.local @!p0 [hbm:s0], s1  }
0xea: {  	s0 =	simm.s32 @!p0 $0x2  }
0xeb: {  	_ =	swait.ge @!p0 [sflag:s0], s1  }
0xec: {  	s1 =	ssub.s32 @!p0 $0x0, s1;
	[sflag:s0] =	ssyncset.done @!p0 $0x0  }
0xed: {  	[sflag:s0] =	ssyncadd.s32 @!p0 s1  }
0xee: {  	[bflag:$0x3] =	sbarrier.arrive $0xFFFF  }
0xef: {  	_ =	shalt  }

</sc_bundles>
